<compile_context>
chip_gen: v7x
topology: tpu7x:2x2x1
jax: 0.10.2.dev20260603
libtpu: 0.0.44.dev20260713+nightly
codegen_flags: <defaults>
</compile_context>

<pallas_src>
import functools
import math

import jax
import jax.numpy as jnp
from jax import lax
from jax.experimental import pallas as pl
from jax.experimental.pallas import tpu as pltpu
from jax.experimental.pallas import tpu_sc as plsc

SR = 16000
MAXD = 800.0
HALO = 896
B = 16
L = 64000
W = 4096
NVEC = W // 16
K = 32
NBLK = NVEC // K
NROW = 8

S1 = 0.9999999765137555
S3 = -0.16666647593489578
S5 = 0.008332899222833035
S7 = -0.00019800865307231935
S9 = 2.5904300308081957e-06
TWO_PI = float(2.0 * math.pi)
INV_2PI = float(1.0 / (2.0 * math.pi))

_MESH = plsc.VectorSubcoreMesh(core_axis_name="c", subcore_axis_name="s")


@functools.partial(
    pl.kernel,
    out_type=jax.ShapeDtypeStruct((B, L), jnp.float32),
    mesh=_MESH,
    compiler_params=pltpu.CompilerParams(needs_layout_passes=False),
    scratch_types=[
        pltpu.VMEM((NROW, HALO + W), jnp.float32),
        pltpu.VMEM((NROW, W), jnp.float32),
        pltpu.VMEM((HALO + W,), jnp.float32),
        pltpu.VMEM((5 * B,), jnp.float32),
        pltpu.VMEM((NROW * NBLK * 16,), jnp.float32),
        pltpu.VMEM((NROW * NBLK * 16,), jnp.float32),
        pltpu.SemaphoreType.DMA,
    ],
)
def _chorus_sc(audio, params, out, buf, outbuf, rowbuf, pbuf, anchs, anchc,
               sem):
    kcol = lax.axis_index("s")
    r0 = pl.multiple_of(lax.axis_index("c") * NROW, NROW)
    cs_out = jnp.minimum(kcol * W, L - W)
    shift = HALO * (kcol == 0).astype(jnp.int32)
    cs_src = pl.multiple_of(cs_out - HALO + shift, 128)
    in_cp = pltpu.async_copy(
        audio.at[pl.ds(r0, NROW), pl.ds(cs_src, HALO + W)], buf, sem)
    pltpu.sync_copy(params, pbuf)
    loc0 = (HALO - shift) - cs_out
    dry0 = HALO - shift

    iota = lax.iota(jnp.int32, 16)
    iota_f = iota.astype(jnp.float32)
    cs_out_f = cs_out.astype(jnp.float32)

    def sin_reduced(u):
        f = u - u.astype(jnp.int32).astype(jnp.float32)
        k = (2.0 * f + 0.5).astype(jnp.int32)
        s = f - 0.5 * k.astype(jnp.float32)
        th = TWO_PI * s
        t2 = th * th
        p = ((((S9 * t2 + S7) * t2 + S5) * t2 + S3) * t2 + S1) * th
        return jnp.where((k & 1) == 1, -p, p)

    def prow_of(row, q):
        return plsc.load_gather(
            pbuf, [jnp.full((16,), q * B, dtype=jnp.int32)
                   + jnp.full((16,), row, dtype=jnp.int32)])

    def anchor_row(r, _):
        row = r0 + r
        w2 = prow_of(row, 0)
        w216 = w2 * (16.0 / SR)
        theta0 = w2 * ((cs_out_f + iota_f) / float(SR))
        u0 = theta0 * INV_2PI
        s0_init = sin_reduced(u0)
        c0_init = sin_reduced(u0 + 0.25)
        xB = float(K) * w216
        xB2 = xB * xB
        sB = (((-1.0 / 5040.0) * xB2 + (1.0 / 120.0)) * xB2 + (-1.0 / 6.0)) \
            * xB2 * xB + xB
        cB = (((-1.0 / 720.0) * xB2 + (1.0 / 24.0)) * xB2 + (-0.5)) * xB2 + 1.0
        abase = r * (NBLK * 16)

        def fill_anchor(m, carry):
            s0, c0 = carry
            anchs[pl.ds(abase + m * 16, 16)] = s0
            anchc[pl.ds(abase + m * 16, 16)] = c0
            s0n = s0 * cB + c0 * sB
            c0n = c0 * cB - s0 * sB
            return (s0n, c0n)

        lax.fori_loop(0, NBLK, fill_anchor, (s0_init, c0_init))
        return 0

    lax.fori_loop(0, NROW, anchor_row, 0)
    in_cp.wait()

    def row_body(r, _):
        row = r0 + r

        @plsc.parallel_loop(0, (HALO + W) // 16, step=1, unroll=8)
        def copy_row(q):
            rowbuf[pl.ds(q * 16, 16)] = buf[r, pl.ds(q * 16, 16)]

        w2 = prow_of(row, 0)
        dep = prow_of(row, 1)
        centre = prow_of(row, 2)
        mx = prow_of(row, 3)
        omx = prow_of(row, 4)
        dc = dep * centre
        w216 = w2 * (16.0 / SR)
        abase = r * (NBLK * 16)

        @plsc.parallel_loop(0, NVEC, step=1, unroll=8)
        def body(jj):
            m16 = abase + (lax.shift_right_logical(jj, 1) & -16)
            s0 = anchs[pl.ds(m16, 16)]
            c0 = anchc[pl.ds(m16, 16)]
            jk = jj & (K - 1)
            jf = jk.astype(jnp.float32)
            x = w216 * jf
            x2 = x * x
            sinx = x * (1.0 - x2 * (1.0 / 6.0))
            cosx = 1.0 - x2 * 0.5
            lfo = s0 * cosx + c0 * sinx

            delay = centre + lfo * dc
            delay = jnp.minimum(jnp.maximum(delay, 1.0), MAXD)
            li16 = jj * 16
            i_f = (cs_out_f + li16.astype(jnp.float32)) + iota_f
            rp = i_f - delay
            valid = rp >= 0.0
            rp_c = jnp.maximum(rp, 0.0)
            idx_g = rp_c.astype(jnp.int32)
            frac = rp_c - idx_g.astype(jnp.float32)
            lidx = idx_g + loc0
            lo = plsc.load_gather(rowbuf, [lidx], mask=valid)
            hi = plsc.load_gather(rowbuf, [lidx + 1], mask=valid)
            delayed = lo + frac * (hi - lo)
            a = rowbuf[pl.ds(dry0 + li16, 16)]
            outbuf[r, pl.ds(li16, 16)] = a * omx + delayed * mx

        return 0

    lax.fori_loop(0, NROW, row_body, 0)
    pltpu.sync_copy(outbuf, out.at[pl.ds(r0, NROW), pl.ds(cs_out, W)])


def kernel(audio, rate_hz, depth, centre_delay_ms, feedback, mix):
    del feedback
    centre_s = centre_delay_ms.astype(jnp.float32) * (SR / 1000.0)
    params = jnp.stack([
        TWO_PI * rate_hz.astype(jnp.float32),
        depth.astype(jnp.float32),
        centre_s,
        mix.astype(jnp.float32),
        1.0 - mix.astype(jnp.float32),
    ]).reshape(-1)
    return _chorus_sc(audio.astype(jnp.float32), params)

# --- scband reference (transcript-rebuilt; emitter-appended) ---
"""Pipeline reference for scband-gpuchorus-8323646620201 (READ-ONLY COPY).

The authoritative reference and input builder live on the scoring server;
editing this copy changes nothing except your own understanding.
"""

import jax, jax.numpy as jnp
import numpy as np

SAMPLE_RATE = 16000
MAX_DELAY_SAMPLES = int(50.0 * 16000 / 1000)


def setup_inputs(seed: int = 0) -> dict:
    key = jax.random.key(seed)
    ks = jax.random.split(key, 6)
    B, L = 16, 64000
    audio = jax.random.normal(ks[0], (B, L), dtype=jnp.float32)
    rate_hz = jax.random.uniform(ks[1], (B,), dtype=jnp.float32)
    depth = jax.random.uniform(ks[2], (B,), dtype=jnp.float32)
    centre_delay_ms = jax.random.uniform(ks[3], (B,), dtype=jnp.float32)
    feedback = jax.random.uniform(ks[4], (B,), dtype=jnp.float32)
    mix = jax.random.uniform(ks[5], (B,), dtype=jnp.float32)
    return {"audio": audio, "rate_hz": rate_hz, "depth": depth,
            "centre_delay_ms": centre_delay_ms, "feedback": feedback, "mix": mix}


def reference(audio, rate_hz, depth, centre_delay_ms, feedback, mix):
    B, L = audio.shape
    dtype = audio.dtype
    t = jnp.arange(L, dtype=dtype) / SAMPLE_RATE
    # LFO per batch: (B, L)
    lfo = jnp.sin(2.0 * jnp.pi * rate_hz[:, None] * t[None, :])
    centre_delay_samples = centre_delay_ms[:, None] * SAMPLE_RATE / 1000.0
    delay_samples = centre_delay_samples + lfo * depth[:, None] * centre_delay_samples
    delay_samples = jnp.clip(delay_samples, 1.0, float(MAX_DELAY_SAMPLES))
    i = jnp.arange(L, dtype=dtype)[None, :]
    read_pos = i - delay_samples
    valid = read_pos >= 0.0
    rp = jnp.clip(read_pos, 0.0, float(L - 1))
    idx_low = jnp.floor(rp).astype(jnp.int32)
    idx_high = jnp.minimum(idx_low + 1, L - 1)
    frac = rp - idx_low.astype(dtype)
    low = jnp.take_along_axis(audio, idx_low, axis=1)
    high = jnp.take_along_axis(audio, idx_high, axis=1)
    delayed = jnp.where(valid, low * (1.0 - frac) + high * frac, jnp.zeros_like(audio))
    output = audio * (1.0 - mix[:, None]) + delayed * mix[:, None]
    return output

if __name__ == "__main__":
    import jax
    _d = setup_inputs()
    print(jax.jit(kernel)(*tuple(_d.values())))

</pallas_src>

<mosaic_0001>
#map = affine_map<(d0, d1) -> (0, 0)>
#map1 = affine_map<(d0, d1) -> (0)>
module attributes {stable_mosaic.version = 14 : i64} {
  func.func @_chorus_sc(%arg0: i32, %arg1: i32, %arg2: memref<16x64000xf32, #tpu.memory_space<hbm>>, %arg3: memref<80xf32, #tpu.memory_space<hbm>>, %arg4: memref<16x64000xf32, #tpu.memory_space<hbm>>, %arg5: memref<8x4992xf32, #tpu.memory_space<vmem>>, %arg6: memref<8x4096xf32, #tpu.memory_space<vmem>>, %arg7: memref<4992xf32, #tpu.memory_space<vmem>>, %arg8: memref<80xf32, #tpu.memory_space<vmem>>, %arg9: memref<1024xf32, #tpu.memory_space<vmem>>, %arg10: memref<1024xf32, #tpu.memory_space<vmem>>, %arg11: memref<!tpu.dma_semaphore, #tpu.memory_space<semaphore_mem>>) attributes {dimension_semantics = [#tpu.dimension_semantics<core_parallel>, #tpu.dimension_semantics<subcore_parallel>], iteration_bounds = array<i64: 2, 16>, scalar_prefetch = 0 : i64, scratch_operands = 7 : i64, tpu.core_type = #tpu.core_type<sc_vector_subcore>, window_params = [{transform_indices = #map}, {transform_indices = #map1}, {transform_indices = #map}]} {
    %mul3A = arith.constant 8 : i32
    %mul3A_0 = arith.muli %arg0, %mul3A : i32
    %multiple_of3A = tpu.assume_multiple %mul3A_0, 8 : i32
    %mul3A_1 = arith.constant 4096 : i32
    %mul3A_2 = arith.muli %arg1, %mul3A_1 : i32
    %min3A = arith.constant 59904 : i32
    %min3A_3 = arith.minsi %mul3A_2, %min3A : i32
    %eq3A = arith.constant 0 : i32
    %eq3A_4 = arith.cmpi eq, %arg1, %eq3A : i32
    %convert_element_type3A = arith.extui %eq3A_4 : i1 to i32
    %mul3A_5 = arith.constant 896 : i32
    %mul3A_6 = arith.muli %mul3A_5, %convert_element_type3A : i32
    %sub3A = arith.constant 896 : i32
    %sub3A_7 = arith.subi %min3A_3, %sub3A : i32
    %add3A = arith.addi %sub3A_7, %mul3A_6 : i32
    %multiple_of3A_8 = tpu.assume_multiple %add3A, 128 : i32
    %dma_start3A = tpu.memref_slice %arg2[%multiple_of3A, %multiple_of3A_8] : memref<16x64000xf32, #tpu.memory_space<hbm>> -> memref<8x4992xf32, #tpu.memory_space<hbm>>
    %dma_start3A_9 = tpu.memref_slice %arg2[%multiple_of3A, %multiple_of3A_8] : memref<16x64000xf32, #tpu.memory_space<hbm>> -> memref<8x4992xf32, #tpu.memory_space<hbm>>
    tpu.enqueue_dma source(%dma_start3A_9 : memref<8x4992xf32, #tpu.memory_space<hbm>>) target(%arg5 : memref<8x4992xf32, #tpu.memory_space<vmem>>) target_semaphore(%arg11 : memref<!tpu.dma_semaphore, #tpu.memory_space<semaphore_mem>>)
    "tpu.region"() ({
      %run_scoped3A = tpu.sem_alloc : memref<!tpu.dma_semaphore, #tpu.memory_space<semaphore_mem>>
      tpu.enqueue_dma source(%arg3 : memref<80xf32, #tpu.memory_space<hbm>>) target(%arg8 : memref<80xf32, #tpu.memory_space<vmem>>) target_semaphore(%run_scoped3A : memref<!tpu.dma_semaphore, #tpu.memory_space<semaphore_mem>>)
      tpu.wait_dma2 semaphore(%run_scoped3A : memref<!tpu.dma_semaphore, #tpu.memory_space<semaphore_mem>>) src(%arg3 : memref<80xf32, #tpu.memory_space<hbm>>) dst(%arg8 : memref<80xf32, #tpu.memory_space<vmem>>)
      tpu.yield
    }) : () -> ()
    %sub3A_10 = arith.constant 896 : i32
    %sub3A_11 = arith.subi %sub3A_10, %mul3A_6 : i32
    %sub3A_12 = arith.subi %sub3A_11, %min3A_3 : i32
    %sub3A_13 = arith.constant 896 : i32
    %sub3A_14 = arith.subi %sub3A_13, %mul3A_6 : i32
    %iota3A = tpu.iota {dimensions = array<i32: 0>} : vector<16xi32>
    %convert_element_type3A_15 = arith.sitofp %iota3A : vector<16xi32> to vector<16xf32>
    %convert_element_type3A_16 = arith.sitofp %min3A_3 : i32 to f32
    %scan3A = arith.constant 0 : i32
    %scan3A_17 = arith.constant 0 : i32
    %scan3A_18 = arith.constant 8 : i32
    %scan3A_19 = arith.addi %scan3A_17, %scan3A_18 : i32
    %scan3A_20 = arith.constant 1 : i32
    %scan3A_21 = scf.for %scan3A_31 = %scan3A_17 to %scan3A_19 step %scan3A_20 iter_args(%scan3A_32 = %scan3A) -> (i32)  : i32 {
      %add3A_33 = arith.addi %multiple_of3A, %scan3A_31 : i32
      %broadcast_in_dim3A = arith.constant 0 : i32
      %broadcast_in_dim3A_34 = vector.broadcast %broadcast_in_dim3A : i32 to vector<16xi32>
      %broadcast_in_dim3A_35 = vector.broadcast %add3A_33 : i32 to vector<16xi32>
      %add3A_36 = arith.addi %broadcast_in_dim3A_34, %broadcast_in_dim3A_35 : vector<16xi32>
      %gather3A = tpu.vector_load_idx %arg8[%add3A_36] : memref<80xf32, #tpu.memory_space<vmem>>[vector<16xi32>], vector<16xf32>,
      %mul3A_37 = arith.constant 1.000000e-03 : f32
      %mul3A_38 = vector.broadcast %mul3A_37 : f32 to vector<16xf32>
      %mul3A_39 = arith.mulf %gather3A, %mul3A_38 : vector<16xf32>
      %add3A_40 = vector.broadcast %convert_element_type3A_16 : f32 to vector<16xf32>
      %add3A_41 = arith.addf %add3A_40, %convert_element_type3A_15 : vector<16xf32>
      %div3A = arith.constant 1.600000e+04 : f32
      %div3A_42 = vector.broadcast %div3A : f32 to vector<16xf32>
      %div3A_43 = arith.divf %add3A_41, %div3A_42 : vector<16xf32>
      %mul3A_44 = arith.mulf %gather3A, %div3A_43 : vector<16xf32>
      %mul3A_45 = arith.constant 0.159154937 : f32
      %mul3A_46 = vector.broadcast %mul3A_45 : f32 to vector<16xf32>
      %mul3A_47 = arith.mulf %mul3A_44, %mul3A_46 : vector<16xf32>
      %convert_element_type3A_48 = arith.fptosi %mul3A_47 : vector<16xf32> to vector<16xi32>
      %convert_element_type3A_49 = arith.sitofp %convert_element_type3A_48 : vector<16xi32> to vector<16xf32>
      %sub3A_50 = arith.subf %mul3A_47, %convert_element_type3A_49 : vector<16xf32>
      %mul3A_51 = arith.constant 2.000000e+00 : f32
      %mul3A_52 = vector.broadcast %mul3A_51 : f32 to vector<16xf32>
      %mul3A_53 = arith.mulf %mul3A_52, %sub3A_50 : vector<16xf32>
      %add3A_54 = arith.constant 5.000000e-01 : f32
      %add3A_55 = vector.broadcast %add3A_54 : f32 to vector<16xf32>
      %add3A_56 = arith.addf %mul3A_53, %add3A_55 : vector<16xf32>
      %convert_element_type3A_57 = arith.fptosi %add3A_56 : vector<16xf32> to vector<16xi32>
      %convert_element_type3A_58 = arith.sitofp %convert_element_type3A_57 : vector<16xi32> to vector<16xf32>
      %mul3A_59 = arith.constant 5.000000e-01 : f32
      %mul3A_60 = vector.broadcast %mul3A_59 : f32 to vector<16xf32>
      %mul3A_61 = arith.mulf %mul3A_60, %convert_element_type3A_58 : vector<16xf32>
      %sub3A_62 = arith.subf %sub3A_50, %mul3A_61 : vector<16xf32>
      %mul3A_63 = arith.constant 6.28318548 : f32
      %mul3A_64 = vector.broadcast %mul3A_63 : f32 to vector<16xf32>
      %mul3A_65 = arith.mulf %mul3A_64, %sub3A_62 : vector<16xf32>
      %mul3A_66 = arith.mulf %mul3A_65, %mul3A_65 : vector<16xf32>
      %mul3A_67 = arith.constant 2.590430e-06 : f32
      %mul3A_68 = vector.broadcast %mul3A_67 : f32 to vector<16xf32>
      %mul3A_69 = arith.mulf %mul3A_68, %mul3A_66 : vector<16xf32>
      %add3A_70 = arith.constant -1.98008653E-4 : f32
      %add3A_71 = vector.broadcast %add3A_70 : f32 to vector<16xf32>
      %add3A_72 = arith.addf %mul3A_69, %add3A_71 : vector<16xf32>
      %mul3A_73 = arith.mulf %add3A_72, %mul3A_66 : vector<16xf32>
      %add3A_74 = arith.constant 0.00833289884 : f32
      %add3A_75 = vector.broadcast %add3A_74 : f32 to vector<16xf32>
      %add3A_76 = arith.addf %mul3A_73, %add3A_75 : vector<16xf32>
      %mul3A_77 = arith.mulf %add3A_76, %mul3A_66 : vector<16xf32>
      %add3A_78 = arith.constant -0.166666478 : f32
      %add3A_79 = vector.broadcast %add3A_78 : f32 to vector<16xf32>
      %add3A_80 = arith.addf %mul3A_77, %add3A_79 : vector<16xf32>
      %mul3A_81 = arith.mulf %add3A_80, %mul3A_66 : vector<16xf32>
      %add3A_82 = arith.constant 1.000000e+00 : f32
      %add3A_83 = vector.broadcast %add3A_82 : f32 to vector<16xf32>
      %add3A_84 = arith.addf %mul3A_81, %add3A_83 : vector<16xf32>
      %mul3A_85 = arith.mulf %add3A_84, %mul3A_65 : vector<16xf32>
      %and3A = arith.constant 1 : i32
      %and3A_86 = vector.broadcast %and3A : i32 to vector<16xi32>
      %and3A_87 = arith.andi %convert_element_type3A_57, %and3A_86 : vector<16xi32>
      %eq3A_88 = arith.constant 1 : i32
      %eq3A_89 = vector.broadcast %eq3A_88 : i32 to vector<16xi32>
      %eq3A_90 = arith.cmpi eq, %and3A_87, %eq3A_89 : vector<16xi32>
      %neg3A = arith.constant 0.000000e+00 : f32
      %neg3A_91 = vector.broadcast %neg3A : f32 to vector<16xf32>
      %neg3A_92 = arith.subf %neg3A_91, %mul3A_85 : vector<16xf32>
      %select_n3A = arith.select %eq3A_90, %neg3A_92, %mul3A_85 : vector<16xi1>, vector<16xf32>
      %add3A_93 = arith.constant 2.500000e-01 : f32
      %add3A_94 = vector.broadcast %add3A_93 : f32 to vector<16xf32>
      %add3A_95 = arith.addf %mul3A_47, %add3A_94 : vector<16xf32>
      %convert_element_type3A_96 = arith.fptosi %add3A_95 : vector<16xf32> to vector<16xi32>
      %convert_element_type3A_97 = arith.sitofp %convert_element_type3A_96 : vector<16xi32> to vector<16xf32>
      %sub3A_98 = arith.subf %add3A_95, %convert_element_type3A_97 : vector<16xf32>
      %mul3A_99 = arith.constant 2.000000e+00 : f32
      %mul3A_100 = vector.broadcast %mul3A_99 : f32 to vector<16xf32>
      %mul3A_101 = arith.mulf %mul3A_100, %sub3A_98 : vector<16xf32>
      %add3A_102 = arith.constant 5.000000e-01 : f32
      %add3A_103 = vector.broadcast %add3A_102 : f32 to vector<16xf32>
      %add3A_104 = arith.addf %mul3A_101, %add3A_103 : vector<16xf32>
      %convert_element_type3A_105 = arith.fptosi %add3A_104 : vector<16xf32> to vector<16xi32>
      %convert_element_type3A_106 = arith.sitofp %convert_element_type3A_105 : vector<16xi32> to vector<16xf32>
      %mul3A_107 = arith.constant 5.000000e-01 : f32
      %mul3A_108 = vector.broadcast %mul3A_107 : f32 to vector<16xf32>
      %mul3A_109 = arith.mulf %mul3A_108, %convert_element_type3A_106 : vector<16xf32>
      %sub3A_110 = arith.subf %sub3A_98, %mul3A_109 : vector<16xf32>
      %mul3A_111 = arith.constant 6.28318548 : f32
      %mul3A_112 = vector.broadcast %mul3A_111 : f32 to vector<16xf32>
      %mul3A_113 = arith.mulf %mul3A_112, %sub3A_110 : vector<16xf32>
      %mul3A_114 = arith.mulf %mul3A_113, %mul3A_113 : vector<16xf32>
      %mul3A_115 = arith.constant 2.590430e-06 : f32
      %mul3A_116 = vector.broadcast %mul3A_115 : f32 to vector<16xf32>
      %mul3A_117 = arith.mulf %mul3A_116, %mul3A_114 : vector<16xf32>
      %add3A_118 = arith.constant -1.98008653E-4 : f32
      %add3A_119 = vector.broadcast %add3A_118 : f32 to vector<16xf32>
      %add3A_120 = arith.addf %mul3A_117, %add3A_119 : vector<16xf32>
      %mul3A_121 = arith.mulf %add3A_120, %mul3A_114 : vector<16xf32>
      %add3A_122 = arith.constant 0.00833289884 : f32
      %add3A_123 = vector.broadcast %add3A_122 : f32 to vector<16xf32>
      %add3A_124 = arith.addf %mul3A_121, %add3A_123 : vector<16xf32>
      %mul3A_125 = arith.mulf %add3A_124, %mul3A_114 : vector<16xf32>
      %add3A_126 = arith.constant -0.166666478 : f32
      %add3A_127 = vector.broadcast %add3A_126 : f32 to vector<16xf32>
      %add3A_128 = arith.addf %mul3A_125, %add3A_127 : vector<16xf32>
      %mul3A_129 = arith.mulf %add3A_128, %mul3A_114 : vector<16xf32>
      %add3A_130 = arith.constant 1.000000e+00 : f32
      %add3A_131 = vector.broadcast %add3A_130 : f32 to vector<16xf32>
      %add3A_132 = arith.addf %mul3A_129, %add3A_131 : vector<16xf32>
      %mul3A_133 = arith.mulf %add3A_132, %mul3A_113 : vector<16xf32>
      %and3A_134 = arith.constant 1 : i32
      %and3A_135 = vector.broadcast %and3A_134 : i32 to vector<16xi32>
      %and3A_136 = arith.andi %convert_element_type3A_105, %and3A_135 : vector<16xi32>
      %eq3A_137 = arith.constant 1 : i32
      %eq3A_138 = vector.broadcast %eq3A_137 : i32 to vector<16xi32>
      %eq3A_139 = arith.cmpi eq, %and3A_136, %eq3A_138 : vector<16xi32>
      %neg3A_140 = arith.constant 0.000000e+00 : f32
      %neg3A_141 = vector.broadcast %neg3A_140 : f32 to vector<16xf32>
      %neg3A_142 = arith.subf %neg3A_141, %mul3A_133 : vector<16xf32>
      %select_n3A_143 = arith.select %eq3A_139, %neg3A_142, %mul3A_133 : vector<16xi1>, vector<16xf32>
      %mul3A_144 = arith.constant 3.200000e+01 : f32
      %mul3A_145 = vector.broadcast %mul3A_144 : f32 to vector<16xf32>
      %mul3A_146 = arith.mulf %mul3A_145, %mul3A_39 : vector<16xf32>
      %mul3A_147 = arith.mulf %mul3A_146, %mul3A_146 : vector<16xf32>
      %mul3A_148 = arith.constant -1.98412701E-4 : f32
      %mul3A_149 = vector.broadcast %mul3A_148 : f32 to vector<16xf32>
      %mul3A_150 = arith.mulf %mul3A_149, %mul3A_147 : vector<16xf32>
      %add3A_151 = arith.constant 0.00833333377 : f32
      %add3A_152 = vector.broadcast %add3A_151 : f32 to vector<16xf32>
      %add3A_153 = arith.addf %mul3A_150, %add3A_152 : vector<16xf32>
      %mul3A_154 = arith.mulf %add3A_153, %mul3A_147 : vector<16xf32>
      %add3A_155 = arith.constant -0.166666672 : f32
      %add3A_156 = vector.broadcast %add3A_155 : f32 to vector<16xf32>
      %add3A_157 = arith.addf %mul3A_154, %add3A_156 : vector<16xf32>
      %mul3A_158 = arith.mulf %add3A_157, %mul3A_147 : vector<16xf32>
      %mul3A_159 = arith.mulf %mul3A_158, %mul3A_146 : vector<16xf32>
      %add3A_160 = arith.addf %mul3A_159, %mul3A_146 : vector<16xf32>
      %mul3A_161 = arith.constant -0.00138888892 : f32
      %mul3A_162 = vector.broadcast %mul3A_161 : f32 to vector<16xf32>
      %mul3A_163 = arith.mulf %mul3A_162, %mul3A_147 : vector<16xf32>
      %add3A_164 = arith.constant 0.0416666679 : f32
      %add3A_165 = vector.broadcast %add3A_164 : f32 to vector<16xf32>
      %add3A_166 = arith.addf %mul3A_163, %add3A_165 : vector<16xf32>
      %mul3A_167 = arith.mulf %add3A_166, %mul3A_147 : vector<16xf32>
      %add3A_168 = arith.constant -5.000000e-01 : f32
      %add3A_169 = vector.broadcast %add3A_168 : f32 to vector<16xf32>
      %add3A_170 = arith.addf %mul3A_167, %add3A_169 : vector<16xf32>
      %mul3A_171 = arith.mulf %add3A_170, %mul3A_147 : vector<16xf32>
      %add3A_172 = arith.constant 1.000000e+00 : f32
      %add3A_173 = vector.broadcast %add3A_172 : f32 to vector<16xf32>
      %add3A_174 = arith.addf %mul3A_171, %add3A_173 : vector<16xf32>
      %mul3A_175 = arith.constant 128 : i32
      %mul3A_176 = arith.muli %scan3A_31, %mul3A_175 : i32
      %scan3A_177 = arith.constant 0 : i32
      %scan3A_178 = arith.constant 8 : i32
      %scan3A_179 = arith.addi %scan3A_177, %scan3A_178 : i32
      %scan3A_180 = arith.constant 1 : i32
      %scan3A_181:2 = scf.for %scan3A_184 = %scan3A_177 to %scan3A_179 step %scan3A_180 iter_args(%scan3A_185 = %select_n3A, %scan3A_186 = %select_n3A_143) -> (vector<16xf32>, vector<16xf32>)  : i32 {
        %mul3A_187 = arith.constant 16 : i32
        %mul3A_188 = arith.muli %scan3A_184, %mul3A_187 : i32
        %add3A_189 = arith.addi %mul3A_176, %mul3A_188 : i32
        %swap3A = arith.index_cast %add3A_189 : i32 to index
        %swap3A_190 = tpu.vector_load %arg9[%swap3A] {strides = array<i32>} : memref<1024xf32, #tpu.memory_space<vmem>>, vector<16xf32>,
        tpu.vector_store %arg9[%swap3A], %scan3A_185 {strides = array<i32>} : memref<1024xf32, #tpu.memory_space<vmem>>, vector<16xf32>,
        %mul3A_191 = arith.constant 16 : i32
        %mul3A_192 = arith.muli %scan3A_184, %mul3A_191 : i32
        %add3A_193 = arith.addi %mul3A_176, %mul3A_192 : i32
        %swap3A_194 = arith.index_cast %add3A_193 : i32 to index
        %swap3A_195 = tpu.vector_load %arg10[%swap3A_194] {strides = array<i32>} : memref<1024xf32, #tpu.memory_space<vmem>>, vector<16xf32>,
        tpu.vector_store %arg10[%swap3A_194], %scan3A_186 {strides = array<i32>} : memref<1024xf32, #tpu.memory_space<vmem>>, vector<16xf32>,
        %mul3A_196 = arith.mulf %scan3A_185, %add3A_174 : vector<16xf32>
        %mul3A_197 = arith.mulf %scan3A_186, %add3A_160 : vector<16xf32>
        %add3A_198 = arith.addf %mul3A_196, %mul3A_197 : vector<16xf32>
        %mul3A_199 = arith.mulf %scan3A_186, %add3A_174 : vector<16xf32>
        %mul3A_200 = arith.mulf %scan3A_185, %add3A_160 : vector<16xf32>
        %sub3A_201 = arith.subf %mul3A_199, %mul3A_200 : vector<16xf32>
        scf.yield %add3A_198, %sub3A_201 : vector<16xf32>, vector<16xf32>
      }
      %scan3A_182 = arith.constant 8 : i32
      %scan3A_183 = arith.constant 0 : i32
      scf.yield %scan3A_183 : i32
    }
    %scan3A_22 = arith.constant 8 : i32
    %dma_wait3A = tpu.memref_slice %arg2[%multiple_of3A, %multiple_of3A_8] : memref<16x64000xf32, #tpu.memory_space<hbm>> -> memref<8x4992xf32, #tpu.memory_space<hbm>>
    %dma_wait3A_23 = tpu.memref_slice %arg2[%multiple_of3A, %multiple_of3A_8] : memref<16x64000xf32, #tpu.memory_space<hbm>> -> memref<8x4992xf32, #tpu.memory_space<hbm>>
    tpu.wait_dma2 semaphore(%arg11 : memref<!tpu.dma_semaphore, #tpu.memory_space<semaphore_mem>>) src(%dma_wait3A_23 : memref<8x4992xf32, #tpu.memory_space<hbm>>) dst(%arg5 : memref<8x4992xf32, #tpu.memory_space<vmem>>)
    %scan3A_24 = arith.constant 0 : i32
    %scan3A_25 = arith.constant 0 : i32
    %scan3A_26 = arith.constant 8 : i32
    %scan3A_27 = arith.addi %scan3A_25, %scan3A_26 : i32
    %scan3A_28 = arith.constant 1 : i32
    %scan3A_29 = scf.for %scan3A_31 = %scan3A_25 to %scan3A_27 step %scan3A_28 iter_args(%scan3A_32 = %scan3A_24) -> (i32)  : i32 {
      %add3A_33 = arith.addi %multiple_of3A, %scan3A_31 : i32
      %parallel_loop3A = arith.constant 0 : i32
      %parallel_loop3A_34 = arith.constant 312 : i32
      %parallel_loop3A_35 = arith.constant 1 : i32
      scf.for %parallel_loop3A_69 = %parallel_loop3A to %parallel_loop3A_34 step %parallel_loop3A_35  : i32 {
        %parallel_loop3A_70 = arith.constant 16 : i32
        %parallel_loop3A_71 = arith.muli %parallel_loop3A_69, %parallel_loop3A_70 : i32
        %parallel_loop3A_72 = arith.index_cast %scan3A_31 : i32 to index
        %parallel_loop3A_73 = arith.index_cast %parallel_loop3A_71 : i32 to index
        %parallel_loop3A_74 = tpu.vector_load %arg5[%parallel_loop3A_72, %parallel_loop3A_73] {strides = array<i32>} : memref<8x4992xf32, #tpu.memory_space<vmem>>, vector<16xf32>,
        %parallel_loop3A_75 = arith.constant 16 : i32
        %parallel_loop3A_76 = arith.muli %parallel_loop3A_69, %parallel_loop3A_75 : i32
        %parallel_loop3A_77 = arith.index_cast %parallel_loop3A_76 : i32 to index
        %parallel_loop3A_78 = tpu.vector_load %arg7[%parallel_loop3A_77] {strides = array<i32>} : memref<4992xf32, #tpu.memory_space<vmem>>, vector<16xf32>,
        tpu.vector_store %arg7[%parallel_loop3A_77], %parallel_loop3A_74 {strides = array<i32>} : memref<4992xf32, #tpu.memory_space<vmem>>, vector<16xf32>,
      } {sc.loop_unroll_factor = 8 : i64, sc.parallel_access}
      %broadcast_in_dim3A = arith.constant 0 : i32
      %broadcast_in_dim3A_36 = vector.broadcast %broadcast_in_dim3A : i32 to vector<16xi32>
      %broadcast_in_dim3A_37 = vector.broadcast %add3A_33 : i32 to vector<16xi32>
      %add3A_38 = arith.addi %broadcast_in_dim3A_36, %broadcast_in_dim3A_37 : vector<16xi32>
      %gather3A = tpu.vector_load_idx %arg8[%add3A_38] : memref<80xf32, #tpu.memory_space<vmem>>[vector<16xi32>], vector<16xf32>,
      %broadcast_in_dim3A_39 = arith.constant 16 : i32
      %broadcast_in_dim3A_40 = vector.broadcast %broadcast_in_dim3A_39 : i32 to vector<16xi32>
      %broadcast_in_dim3A_41 = vector.broadcast %add3A_33 : i32 to vector<16xi32>
      %add3A_42 = arith.addi %broadcast_in_dim3A_40, %broadcast_in_dim3A_41 : vector<16xi32>
      %gather3A_43 = tpu.vector_load_idx %arg8[%add3A_42] : memref<80xf32, #tpu.memory_space<vmem>>[vector<16xi32>], vector<16xf32>,
      %broadcast_in_dim3A_44 = arith.constant 32 : i32
      %broadcast_in_dim3A_45 = vector.broadcast %broadcast_in_dim3A_44 : i32 to vector<16xi32>
      %broadcast_in_dim3A_46 = vector.broadcast %add3A_33 : i32 to vector<16xi32>
      %add3A_47 = arith.addi %broadcast_in_dim3A_45, %broadcast_in_dim3A_46 : vector<16xi32>
      %gather3A_48 = tpu.vector_load_idx %arg8[%add3A_47] : memref<80xf32, #tpu.memory_space<vmem>>[vector<16xi32>], vector<16xf32>,
      %broadcast_in_dim3A_49 = arith.constant 48 : i32
      %broadcast_in_dim3A_50 = vector.broadcast %broadcast_in_dim3A_49 : i32 to vector<16xi32>
      %broadcast_in_dim3A_51 = vector.broadcast %add3A_33 : i32 to vector<16xi32>
      %add3A_52 = arith.addi %broadcast_in_dim3A_50, %broadcast_in_dim3A_51 : vector<16xi32>
      %gather3A_53 = tpu.vector_load_idx %arg8[%add3A_52] : memref<80xf32, #tpu.memory_space<vmem>>[vector<16xi32>], vector<16xf32>,
      %broadcast_in_dim3A_54 = arith.constant 64 : i32
      %broadcast_in_dim3A_55 = vector.broadcast %broadcast_in_dim3A_54 : i32 to vector<16xi32>
      %broadcast_in_dim3A_56 = vector.broadcast %add3A_33 : i32 to vector<16xi32>
      %add3A_57 = arith.addi %broadcast_in_dim3A_55, %broadcast_in_dim3A_56 : vector<16xi32>
      %gather3A_58 = tpu.vector_load_idx %arg8[%add3A_57] : memref<80xf32, #tpu.memory_space<vmem>>[vector<16xi32>], vector<16xf32>,
      %mul3A_59 = arith.mulf %gather3A_43, %gather3A_48 : vector<16xf32>
      %mul3A_60 = arith.constant 1.000000e-03 : f32
      %mul3A_61 = vector.broadcast %mul3A_60 : f32 to vector<16xf32>
      %mul3A_62 = arith.mulf %gather3A, %mul3A_61 : vector<16xf32>
      %mul3A_63 = arith.constant 128 : i32
      %mul3A_64 = arith.muli %scan3A_31, %mul3A_63 : i32
      %parallel_loop3A_65 = arith.constant 0 : i32
      %parallel_loop3A_66 = arith.constant 256 : i32
      %parallel_loop3A_67 = arith.constant 1 : i32
      scf.for %parallel_loop3A_69 = %parallel_loop3A_65 to %parallel_loop3A_66 step %parallel_loop3A_67  : i32 {
        %parallel_loop3A_70 = arith.constant 1 : i32
        %parallel_loop3A_71 = arith.shrui %parallel_loop3A_69, %parallel_loop3A_70 : i32
        %parallel_loop3A_72 = arith.constant -16 : i32
        %parallel_loop3A_73 = arith.andi %parallel_loop3A_71, %parallel_loop3A_72 : i32
        %parallel_loop3A_74 = arith.addi %mul3A_64, %parallel_loop3A_73 : i32
        %parallel_loop3A_75 = arith.index_cast %parallel_loop3A_74 : i32 to index
        %parallel_loop3A_76 = tpu.vector_load %arg9[%parallel_loop3A_75] {strides = array<i32>} : memref<1024xf32, #tpu.memory_space<vmem>>, vector<16xf32>,
        %parallel_loop3A_77 = arith.index_cast %parallel_loop3A_74 : i32 to index
        %parallel_loop3A_78 = tpu.vector_load %arg10[%parallel_loop3A_77] {strides = array<i32>} : memref<1024xf32, #tpu.memory_space<vmem>>, vector<16xf32>,
        %parallel_loop3A_79 = arith.constant 31 : i32
        %parallel_loop3A_80 = arith.andi %parallel_loop3A_69, %parallel_loop3A_79 : i32
        %parallel_loop3A_81 = arith.sitofp %parallel_loop3A_80 : i32 to f32
        %parallel_loop3A_82 = vector.broadcast %parallel_loop3A_81 : f32 to vector<16xf32>
        %parallel_loop3A_83 = arith.mulf %mul3A_62, %parallel_loop3A_82 : vector<16xf32>
        %parallel_loop3A_84 = arith.mulf %parallel_loop3A_83, %parallel_loop3A_83 : vector<16xf32>
        %parallel_loop3A_85 = arith.constant 0.166666672 : f32
        %parallel_loop3A_86 = vector.broadcast %parallel_loop3A_85 : f32 to vector<16xf32>
        %parallel_loop3A_87 = arith.mulf %parallel_loop3A_84, %parallel_loop3A_86 : vector<16xf32>
        %parallel_loop3A_88 = arith.constant 1.000000e+00 : f32
        %parallel_loop3A_89 = vector.broadcast %parallel_loop3A_88 : f32 to vector<16xf32>
        %parallel_loop3A_90 = arith.subf %parallel_loop3A_89, %parallel_loop3A_87 : vector<16xf32>
        %parallel_loop3A_91 = arith.mulf %parallel_loop3A_83, %parallel_loop3A_90 : vector<16xf32>
        %parallel_loop3A_92 = arith.constant 5.000000e-01 : f32
        %parallel_loop3A_93 = vector.broadcast %parallel_loop3A_92 : f32 to vector<16xf32>
        %parallel_loop3A_94 = arith.mulf %parallel_loop3A_84, %parallel_loop3A_93 : vector<16xf32>
        %parallel_loop3A_95 = arith.constant 1.000000e+00 : f32
        %parallel_loop3A_96 = vector.broadcast %parallel_loop3A_95 : f32 to vector<16xf32>
        %parallel_loop3A_97 = arith.subf %parallel_loop3A_96, %parallel_loop3A_94 : vector<16xf32>
        %parallel_loop3A_98 = arith.mulf %parallel_loop3A_76, %parallel_loop3A_97 : vector<16xf32>
        %parallel_loop3A_99 = arith.mulf %parallel_loop3A_78, %parallel_loop3A_91 : vector<16xf32>
        %parallel_loop3A_100 = arith.addf %parallel_loop3A_98, %parallel_loop3A_99 : vector<16xf32>
        %parallel_loop3A_101 = arith.mulf %parallel_loop3A_100, %mul3A_59 : vector<16xf32>
        %parallel_loop3A_102 = arith.addf %gather3A_48, %parallel_loop3A_101 : vector<16xf32>
        %parallel_loop3A_103 = arith.constant 1.000000e+00 : f32
        %parallel_loop3A_104 = vector.broadcast %parallel_loop3A_103 : f32 to vector<16xf32>
        %parallel_loop3A_105 = arith.maximumf %parallel_loop3A_102, %parallel_loop3A_104 : vector<16xf32>
        %parallel_loop3A_106 = arith.constant 8.000000e+02 : f32
        %parallel_loop3A_107 = vector.broadcast %parallel_loop3A_106 : f32 to vector<16xf32>
        %parallel_loop3A_108 = arith.minimumf %parallel_loop3A_105, %parallel_loop3A_107 : vector<16xf32>
        %parallel_loop3A_109 = arith.constant 16 : i32
        %parallel_loop3A_110 = arith.muli %parallel_loop3A_69, %parallel_loop3A_109 : i32
        %parallel_loop3A_111 = arith.sitofp %parallel_loop3A_110 : i32 to f32
        %parallel_loop3A_112 = arith.addf %convert_element_type3A_16, %parallel_loop3A_111 : f32
        %parallel_loop3A_113 = vector.broadcast %parallel_loop3A_112 : f32 to vector<16xf32>
        %parallel_loop3A_114 = arith.addf %parallel_loop3A_113, %convert_element_type3A_15 : vector<16xf32>
        %parallel_loop3A_115 = arith.subf %parallel_loop3A_114, %parallel_loop3A_108 : vector<16xf32>
        %parallel_loop3A_116 = arith.constant 0.000000e+00 : f32
        %parallel_loop3A_117 = vector.broadcast %parallel_loop3A_116 : f32 to vector<16xf32>
        %parallel_loop3A_118 = arith.cmpf oge, %parallel_loop3A_115, %parallel_loop3A_117 : vector<16xf32>
        %parallel_loop3A_119 = arith.constant 0.000000e+00 : f32
        %parallel_loop3A_120 = vector.broadcast %parallel_loop3A_119 : f32 to vector<16xf32>
        %parallel_loop3A_121 = arith.maximumf %parallel_loop3A_115, %parallel_loop3A_120 : vector<16xf32>
        %parallel_loop3A_122 = arith.fptosi %parallel_loop3A_121 : vector<16xf32> to vector<16xi32>
        %parallel_loop3A_123 = arith.sitofp %parallel_loop3A_122 : vector<16xi32> to vector<16xf32>
        %parallel_loop3A_124 = arith.subf %parallel_loop3A_121, %parallel_loop3A_123 : vector<16xf32>
        %parallel_loop3A_125 = vector.broadcast %sub3A_12 : i32 to vector<16xi32>
        %parallel_loop3A_126 = arith.addi %parallel_loop3A_122, %parallel_loop3A_125 : vector<16xi32>
        %parallel_loop3A_127 = tpu.vector_load_idx %arg7[%parallel_loop3A_126] masked %parallel_loop3A_118 : memref<4992xf32, #tpu.memory_space<vmem>>[vector<16xi32>], vector<16xf32>, vector<16xi1>
        %parallel_loop3A_128 = arith.constant 1 : i32
        %parallel_loop3A_129 = vector.broadcast %parallel_loop3A_128 : i32 to vector<16xi32>
        %parallel_loop3A_130 = arith.addi %parallel_loop3A_126, %parallel_loop3A_129 : vector<16xi32>
        %parallel_loop3A_131 = tpu.vector_load_idx %arg7[%parallel_loop3A_130] masked %parallel_loop3A_118 : memref<4992xf32, #tpu.memory_space<vmem>>[vector<16xi32>], vector<16xf32>, vector<16xi1>
        %parallel_loop3A_132 = arith.subf %parallel_loop3A_131, %parallel_loop3A_127 : vector<16xf32>
        %parallel_loop3A_133 = arith.mulf %parallel_loop3A_124, %parallel_loop3A_132 : vector<16xf32>
        %parallel_loop3A_134 = arith.addf %parallel_loop3A_127, %parallel_loop3A_133 : vector<16xf32>
        %parallel_loop3A_135 = arith.addi %sub3A_14, %parallel_loop3A_110 : i32
        %parallel_loop3A_136 = arith.index_cast %parallel_loop3A_135 : i32 to index
        %parallel_loop3A_137 = tpu.vector_load %arg7[%parallel_loop3A_136] {strides = array<i32>} : memref<4992xf32, #tpu.memory_space<vmem>>, vector<16xf32>,
        %parallel_loop3A_138 = arith.mulf %parallel_loop3A_137, %gather3A_58 : vector<16xf32>
        %parallel_loop3A_139 = arith.mulf %parallel_loop3A_134, %gather3A_53 : vector<16xf32>
        %parallel_loop3A_140 = arith.addf %parallel_loop3A_138, %parallel_loop3A_139 : vector<16xf32>
        %parallel_loop3A_141 = arith.index_cast %scan3A_31 : i32 to index
        %parallel_loop3A_142 = arith.index_cast %parallel_loop3A_110 : i32 to index
        %parallel_loop3A_143 = tpu.vector_load %arg6[%parallel_loop3A_141, %parallel_loop3A_142] {strides = array<i32>} : memref<8x4096xf32, #tpu.memory_space<vmem>>, vector<16xf32>,
        tpu.vector_store %arg6[%parallel_loop3A_141, %parallel_loop3A_142], %parallel_loop3A_140 {strides = array<i32>} : memref<8x4096xf32, #tpu.memory_space<vmem>>, vector<16xf32>,
      } {sc.loop_unroll_factor = 8 : i64, sc.parallel_access}
      %scan3A_68 = arith.constant 0 : i32
      scf.yield %scan3A_68 : i32
    }
    %scan3A_30 = arith.constant 8 : i32
    "tpu.region"() ({
      %run_scoped3A = tpu.sem_alloc : memref<!tpu.dma_semaphore, #tpu.memory_space<semaphore_mem>>
      %dma_start3A_31 = tpu.memref_slice %arg4[%multiple_of3A, %min3A_3] : memref<16x64000xf32, #tpu.memory_space<hbm>> -> memref<8x4096xf32, #tpu.memory_space<hbm>>
      %dma_start3A_32 = tpu.memref_slice %arg4[%multiple_of3A, %min3A_3] : memref<16x64000xf32, #tpu.memory_space<hbm>> -> memref<8x4096xf32, #tpu.memory_space<hbm>>
      tpu.enqueue_dma source(%arg6 : memref<8x4096xf32, #tpu.memory_space<vmem>>) target(%dma_start3A_32 : memref<8x4096xf32, #tpu.memory_space<hbm>>) target_semaphore(%run_scoped3A : memref<!tpu.dma_semaphore, #tpu.memory_space<semaphore_mem>>)
      %dma_wait3A_33 = tpu.memref_slice %arg4[%multiple_of3A, %min3A_3] : memref<16x64000xf32, #tpu.memory_space<hbm>> -> memref<8x4096xf32, #tpu.memory_space<hbm>>
      %dma_wait3A_34 = tpu.memref_slice %arg4[%multiple_of3A, %min3A_3] : memref<16x64000xf32, #tpu.memory_space<hbm>> -> memref<8x4096xf32, #tpu.memory_space<hbm>>
      tpu.wait_dma2 semaphore(%run_scoped3A : memref<!tpu.dma_semaphore, #tpu.memory_space<semaphore_mem>>) src(%arg6 : memref<8x4096xf32, #tpu.memory_space<vmem>>) dst(%dma_wait3A_34 : memref<8x4096xf32, #tpu.memory_space<hbm>>)
      tpu.yield
    }) : () -> ()
    return
  }
}

</mosaic_0001>

<sc_bundles>
// kernel: kernel.3.cloned.1.call-start
scs
__scs_entry_jumppad:
0x0: {  	(pc) =	sbr.rel $0x88, $3  }
0x1: {  	(tag) =	ssettag $0x0;
	lr =	simm.s32 $0x1  }
0x2: {  	[smem:$0x3F9C] =	sst lr;
	_ =	strace $0xD0000000  }
0x3: {  	_ = 	snop  }
0x4: {  	_ = 	snop  }
0x5: {  	_ = 	snop  }
0x6: {  	_ = 	snop  }
0x7: {  	_ = 	snop  }
__scs_overlays_trampoline_lowered:
0x8: {  	[smem:$0x3FAB] =	sst s0  }
0x9: {  	[smem:$0x3FAC] =	sst s1  }
0xa: {  	[smem:$0x3FAD] =	sst s2  }
0xb: {  	[smem:$0x3FAE] =	sst s3  }
0xc: {  	[smem:$0x3FAF] =	sst s4  }
0xd: {  	[smem:$0x3FB0] =	sst s5  }
0xe: {  	[smem:$0x3FB1] =	sst s6  }
0xf: {  	[smem:$0x3FB2] =	sst s7  }
0x10: {  	[smem:$0x3FB3] =	sst s8  }
0x11: {  	[smem:$0x3FB4] =	sst s9;
	s0 =	simm.s32 @!p0 $0x0  }
0x12: {  	s1 =	sld [smem:$0x3F9A];
	s0 =	simm.s32 @p0 $0x1  }
0x13: {  	[smem:$0x3FB5] =	sst s0;
	s0 =	simm.s32 @!p1 $0x0  }
0x14: {  	s2 =	sld [smem:$0x3F99];
	s0 =	simm.s32 @p1 $0x1  }
0x15: {  	[smem:$0x3FB6] =	sst s0;
	s0 =	simm.s32 @!p2 $0x0  }
0x16: {  	s3 =	sld [smem:$0x3FDB];
	s0 =	simm.s32 @p2 $0x1  }
0x17: {  	s4 =	simm.s32 $0x1BF5;
	[smem:$0x3FB8] =	sst s0  }
0x18: {  	s0 =	sld [smem:$0x3F9B];
	_ =	swait.ge [sflag:s4], $0x0  }
0x19: {  	s7 =	sld [smem:$0x3F9C]  }
0x1a: {  	s8 =	sadd.s32 $0xFFFFE003, lr  }
0x1b: {  	s9 =	sadd.s32 $0xFFFFFEF7, lr;
	s5 =	simm.s32 $0xFFFFFFFF;
	p2 =	slt.u32 s8, $0xFFFFF086  }
0x1c: {  	p1 =	slt.u32 s9, $0xF7A;
	s5 =	simm.s32 @!p2 $0x0  }
0x1d: {  	s5 =	simm.s32 @p1 $0x1;
	p0 =	seq.s32 s7, s2  }
0x1e: {  	s7 =	smul.u32 @!p0 $0xF7A, s2;
	p2 =	seq.s32 @!p0 s5, $0x0  }
0x1f: {  	s9 =	smul.u32 $0xF7A, s1;
	s8 =	simm.s32 @!p0 $0x1BF5;
	p2 =	por !p2, p0  }
0x20: {  	[sflag:s8] =	ssyncset.s32 @!p0 $0xFFFFF086;
	s6 =	sadd.s32 @!p0 s3, s7;
	s7 =	simm.s32 @!p0 $0x108  }
0x21: {  	s3 =	sadd.s32 s3, s9;
	s6 =	sadd.s32 @!p0 $0x88, s6;
	s7 =	simm.s32 @p2 $0x1082  }
0x22: {  	[simem:s7], [sflag:s8] =	dma.local @!p0 [hbm:s6], $0xF7A  }
0x23: {  	s9 =	sor.u32 $0xD0000000, s2;
	s6 =	simm.s32 $0x108;
	_ =	swait.ge @!p0 [sflag:s8], $0x0  }
0x24: {  	s3 =	sadd.s32 $0x88, s3;
	s6 =	simm.s32 @!p1 $0x1082;
	[sflag:s4] =	ssyncset.s32 $0xFFFFF086  }
0x25: {  	[simem:s6], [sflag:s4] =	dma.local [hbm:s3], $0xF7A  }
0x26: {  	[smem:$0x3F9C] =	sst s1;
	(tag) =	ssettag s2;
	_ =	strace s9  }
0x27: {  	s1 =	sld [smem:$0x3FAC]  }
0x28: {  	s2 =	sld [smem:$0x3FAD]  }
0x29: {  	s4 =	sld [smem:$0x3FAF]  }
0x2a: {  	p0 =	seq.s32 s5, $0x0;
	s5 =	sld [smem:$0x3FB0]  }
0x2b: {  	s6 =	sld [smem:$0x3FB1]  }
0x2c: {  	s7 =	sld [smem:$0x3FB2]  }
0x2d: {  	s3 =	simm.s32 $0x108;
	s8 =	sld [smem:$0x3FB3]  }
0x2e: {  	s3 =	simm.s32 @!p0 $0x1082;
	s9 =	sld [smem:$0x3FB4]  }
0x2f: {  	lr =	sadd.s32 s0, s3;
	s0 =	sld [smem:$0x3FAB]  }
0x30: {  	s3 =	sld [smem:$0x3FAE]  }
0x31: {  	[smem:$0x3FB7] =	sst s10  }
0x32: {  	s10 =	sld [smem:$0x3FB5];
	_ =	sdelay $0x3  }
0x33: {  	p0 =	seq.s32 s10, $0x1;
	s10 =	sld [smem:$0x3FB7];
	_ =	sdelay $0x3  }
0x34: {  	[smem:$0x3FB7] =	sst s10  }
0x35: {  	s10 =	sld [smem:$0x3FB6];
	_ =	sdelay $0x3  }
0x36: {  	p1 =	seq.s32 s10, $0x1;
	s10 =	sld [smem:$0x3FB7];
	_ =	sdelay $0x3  }
0x37: {  	[smem:$0x3FB7] =	sst s10  }
0x38: {  	s10 =	sld [smem:$0x3FB8]  }
0x39: {  	_ = 	snop;
	(pc) =	sbr.ind lr, $3  }
0x3a: {  	_ = 	snop  }
0x3b: {  	_ = 	snop  }
0x3c: {  	p2 =	seq.s32 s10, $0x1;
	s10 =	sld [smem:$0x3FB7]  }
0x3d: {  	_ =	shalt  }
0x3e: {  	_ =	shalt  }
0x3f: {  	_ =	shalt  }
0x40: {  	_ =	shalt  }
0x41: {  	_ =	shalt  }
0x42: {  	_ =	shalt  }
0x43: {  	_ =	shalt  }
0x44: {  	_ =	shalt  }
0x45: {  	_ =	shalt  }
0x46: {  	_ =	shalt  }
0x47: {  	_ =	shalt  }
0x48: {  	_ =	shalt  }
0x49: {  	_ =	shalt  }
0x4a: {  	_ =	shalt  }
0x4b: {  	_ =	shalt  }
0x4c: {  	_ =	shalt  }
0x4d: {  	_ =	shalt  }
0x4e: {  	_ =	shalt  }
0x4f: {  	_ =	shalt  }
0x50: {  	_ =	shalt  }
0x51: {  	_ =	shalt  }
0x52: {  	_ =	shalt  }
0x53: {  	_ =	shalt  }
0x54: {  	_ =	shalt  }
0x55: {  	_ =	shalt  }
0x56: {  	_ =	shalt  }
0x57: {  	_ =	shalt  }
0x58: {  	_ =	shalt  }
0x59: {  	_ =	shalt  }
0x5a: {  	_ =	shalt  }
0x5b: {  	_ =	shalt  }
0x5c: {  	_ =	shalt  }
0x5d: {  	_ =	shalt  }
0x5e: {  	_ =	shalt  }
0x5f: {  	_ =	shalt  }
0x60: {  	_ =	shalt  }
0x61: {  	_ =	shalt  }
0x62: {  	_ =	shalt  }
0x63: {  	_ =	shalt  }
0x64: {  	_ =	shalt  }
0x65: {  	_ =	shalt  }
0x66: {  	_ =	shalt  }
0x67: {  	_ =	shalt  }
0x68: {  	_ =	shalt  }
0x69: {  	_ =	shalt  }
0x6a: {  	_ =	shalt  }
0x6b: {  	_ =	shalt  }
0x6c: {  	_ =	shalt  }
0x6d: {  	_ =	shalt  }
0x6e: {  	_ =	shalt  }
0x6f: {  	_ =	shalt  }
0x70: {  	_ =	shalt  }
0x71: {  	_ =	shalt  }
0x72: {  	_ =	shalt  }
0x73: {  	_ =	shalt  }
0x74: {  	_ =	shalt  }
0x75: {  	_ =	shalt  }
0x76: {  	_ =	shalt  }
0x77: {  	_ =	shalt  }
0x78: {  	_ =	shalt  }
0x79: {  	_ =	shalt  }
0x7a: {  	_ =	shalt  }
0x7b: {  	_ =	shalt  }
0x7c: {  	_ =	shalt  }
0x7d: {  	_ =	shalt  }
0x7e: {  	_ =	shalt  }
0x7f: {  	_ =	shalt  }
0x80: {  	_ =	shalt  }
0x81: {  	_ =	shalt  }
0x82: {  	_ =	shalt  }
0x83: {  	_ =	shalt  }
0x84: {  	_ =	shalt  }
0x85: {  	_ =	shalt  }
0x86: {  	_ =	shalt  }
0x87: {  	_ =	shalt  }
.Lfunc_end0:
.L_simem_size_0:
called_computation_lowered:
.L_overlay_start_0:
0x88: {  	s2 =	sld [smem:$0x3FD9]  }
0x89: {  	s3 =	sld [smem:$0x3FFE];
	_ =	sdelay $0x1  }
0x8a: {  	s1 =	srdreg.scid  }
0x8b: {  	s0 =	sand.u32 $0x1, s1  }
0x8c: {  	s17 =	sshll.u32 s0, $0xA;
	s2 =	sadd.s32 s3, s2  }
0x8d: {  	s2 =	sadd.s32 s2, s17  }
0x8e: {  	[smem:$0x3FC3] =	sst s2  }
0x8f: {  	_ = 	snop  }
0x90: {  	s2 =	sld [smem:$0x3FC9]  }
0x91: {  	s18 =	sld [smem:$0x3FD0];
	(tm) =	ssettm $0x1  }
0x92: {  	s4 =	sld [smem:$0x3FFB];
	_ =	sdelay $0x3  }
0x93: {  	_ =	strace s4  }
0x94: {  	s4 =	sld [smem:$0x3FFC];
	_ =	sdelay $0x3  }
0x95: {  	_ =	strace s4  }
0x96: {  	s4 =	sld [smem:$0x3FFD];
	_ =	sdelay $0x3  }
0x97: {  	_ =	strace s4  }
0x98: {  	_ =	strace $0x8FFFFFFF  }
0x99: {  	s19 =	sld [smem:$0x3FDB];
	_ =	sdelay $0x1  }
0x9a: {  	s5 =	simm.s32 $_scs_section_size  }
0x9b: {  	s6 =	simm.s32 $_size__tile_overlayer_lowered;
	s7 =	simm.s32 $_tile_overlayer_lowered  }
0x9c: {  	s22 =	simm.s32 $0x1BFF;
	s21 =	sshll.u32 s7, $0x1;
	s4 =	sadd.s32 s5, s19  }
0x9d: {  	s8 =	simm.s32 $0x0;
	s20 =	sshll.u32 s6, $0x1;
	s6 =	sadd.s32 s21, s4  }
0x9e: {  	[timem:s8], [sflag:s22] =	dma.local [hbm:s6], s20  }
0x9f: {  	_ =	swait.ge [sflag:s22], s20  }
0xa0: {  	s5 =	ssub.s32 $0x0, s20;
	[sflag:s22] =	ssyncset.done $0x0  }
0xa1: {  	[sflag:s22] =	ssyncadd.s32 s5;
	_ =	sdelay $0x1  }
0xa2: {  	s23 =	simm.s32 $0x1B8B  }
0xa3: {  	_ =	swait.ge [sflag:s23], $0x1  }
0xa4: {  	[sflag:s23] =	ssyncset.done $0x0  }
0xa5: {  	s25 =	simm.s32 $0x1B8E;
	s24 =	sld [smem:$0x3FFE];
	[sflag:s23] =	ssyncadd.s32 $0xFFFFFFFF  }
0xa6: {  	s26 =	simm.s32 $execute0_lowered;
	[smem:$0x3FD2] =	sst s25  }
0xa7: {  	s6 =	sshll.u32 s26, $0x1;
	_ =	strace $0x80000046;
	[dreg:$0x1] =	wrdreg $0xFFFFFFFF  }
0xa8: {  	s28 =	simm.s32 $_size_execute0_lowered;
	s4 =	sadd.s32 s4, s6;
	[dreg:$0x0] =	wrdreg $0x0  }
0xa9: {  	s6 =	sshll.u32 s28, $0x1;
	[dreg:$0x2] =	wrdreg s4  }
0xaa: {  	[dreg:$0x3] =	wrdreg s6  }
0xab: {  	[dreg:$0x4] =	wrdreg $0xC0  }
0xac: {  	_ =	task [dreg:s8], $0x5FFFF  }
0xad: {  	[dreg:$0x1] =	wrdreg $0xFFFFFFFF  }
0xae: {  	[dreg:$0x0] =	wrdreg $0x60  }
0xaf: {  	[dreg:$0x2] =	wrdreg s2  }
0xb0: {  	[dreg:$0x3] =	wrdreg s24  }
0xb1: {  	[dreg:$0x4] =	wrdreg s18  }
0xb2: {  	[dreg:$0x5] =	wrdreg $0x9  }
0xb3: {  	_ =	task.clear_ibuf [dreg:s8], $0x6FFFF;
	_ =	strace $0x90000046  }
0xb4: {  	s29 =	simm.s32 $0x9;
	_ =	strace $0x80000048  }
0xb5: {  	_ =	swait.ge [sflag:s29], $0x1  }
0xb6: {  	[sflag:s29] =	ssyncadd.s32 $0xFFFFFFFF  }
0xb7: {  	_ =	strace $0x90000048  }
0xb8: {  	_ =	sfence  }
0xb9: {  	s30 =	sld [smem:$0x0];
	_ =	sdelay $0x2  }
0xba: {  	s31 =	sshll.u32 s1, $0xD;
	s1 =	sshrl.u32 s1, $0x2  }
0xbb: {  	s3 =	sand.u32 $0x4000, s31;
	s1 =	sadd.s32 s1, s30  }
0xbc: {  	s0 =	sor.u32 s3, s0;
	s1 =	sshll.u32 s1, $0x11  }
0xbd: {  	s0 =	sor.u32 s1, s0  }
0xbe: {  	s0 =	sadd.s32 $0x8F2B, s0  }
0xbf: {  	[sflag:s0] =	ssyncadd.remote.s32 $0x1  }
0xc0: {  	_ =	sfence.sel $0xFFFF  }
0xc1: {  	[dreg:$0x0] =	wrdreg $0xFFFFFFFF;
	(pc) =	sbr.abs _section_cstart, $3  }
0xc2: {  	[dreg:$0x1] =	wrdreg $0xFFFFFFFF  }
0xc3: {  	_ =	task.clear_ibuf [dreg:s8], $0x2FFFF;
	_ =	strace $0x9FFFFFFF  }
0xc4: {  	(tm) =	ssettm $0x7FFFFFFF  }
0xc5: {  	_ =	shalt  }
tec
execute0_lowered:
.L_overlay_start_1:
0x0: {  	(tag) =	ssettag $0x1  }
0x1: {  	v0 =	vimm.f32 $1.500000000e+01;
	vm0 =	vcmask $0x300  }
0x2: {  	vm14 =	vcmask $0x704;
	v0 =	vsel vm0, $0x0, v0  }
0x3: {  	vm15 =	vcmask $0xB08;
	v0 =	vsel vm14, $0x3F800000, v0  }
0x4: {  	vm4 =	vcmask $0xF0C;
	v0 =	vsel vm15, $0x40000000, v0  }
0x5: {  	s4 =	rddreg [dreg:$0x0];
	vm5 =	vcmask $0x1310;
	v0 =	vsel vm4, $0x40400000, v0  }
0x6: {  	s3 =	rddreg [dreg:$0x1];
	s1 =	simm.s32 $0x0;
	vm6 =	vcmask $0x1714;
	v0 =	vsel vm5, $0x40800000, v0  }
0x7: {  	vm7 =	vcmask $0x1B18;
	[smem:$0x7FF] =	sst s1;
	v0 =	vsel vm6, $0x40A00000, v0  }
0x8: {  	s7 =	rddreg [dreg:$0x2];
	vm8 =	vcmask $0x1F1C;
	v1 =	vimm.f32 $1.600000000e+04;
	_ =	strace $0x80000047;
	v0 =	vsel vm7, $0x40C00000, v0  }
0x9: {  	s5 =	srdreg.scid;
	vm9 =	vcmask $0x2320;
	(erf) = vrcp.f32 v1;
	v0 =	vsel vm8, $0x40E00000, v0  }
0xa: {  	s0 =	stileid.u32;
	vm10 =	vcmask $0x2724;
	s11 =	simm.s32 $0x380;
	s13 =	simm.s32 $0x11C00;
	v0 =	vsel vm9, $0x41000000, v0  }
0xb: {  	vm11 =	vcmask $0x2B28;
	s15 =	simm.s32 $0x0;
	s5 =	sand.u32 $0x1, s5;
	s6 =	sshll.u32 s0, $0xC;
	v0 =	vsel vm10, $0x41100000, v0  }
0xc: {  	vm12 =	vcmask $0x2F2C;
	s3 =	sadd.s32 $0x600, s3;
	p0 =	seq.s32 s0, $0x0;
	s8 =	smul.u32 $0xFA00, s5;
	v0 =	vsel vm11, $0x41200000, v0  }
0xd: {  	vm13 =	vcmask $0x3330;
	s9 =	ssub.s32 $0x2, s5;
	s10 =	smin.u32 s6, $0xEA00;
	s11 =	simm.s32 @!p0 $0x0;
	v0 =	vsel vm12, $0x41300000, v0  }
0xe: {  	vm14 =	vcmask $0x3734;
	s28 =	sshrl.u32 s9, $0x1;
	s30 =	sadd.s32 s10, s11;
	s6 =	scvt.s32.f32 s10;
	v0 =	vsel vm13, $0x41400000, v0  }
0xf: {  	vm15 =	vcmask $0x3B38;
	s31 =	sxor.u32 $0x3F0, s11;
	s4 =	sadd.s32 s8, s4;
	s9 =	ssub.s32 s9, s28;
	v0 =	vsel vm14, $0x41500000, v0  }
0x10: {  	s8 =	sadd.s32 s8, s10;
	s12 =	sadd.s32 s10, s4;
	s4 =	sshll.u32 s5, $0x3;
	v0 =	vsel vm15, $0x41600000, v0  }
0x11: {  	s7 =	sadd.s32 s7, s8;
	s29 =	sadd.s32 s11, s12;
	s12 =	ssub.s32 $0x380, s30;
	v2 =	vadd.f32 s6, v0  }
0x12: {  	s8 =	smax.u32 s9, $0x1;
	s9 =	sor.u32 $0x11C00, s31;
	s10 =	simm.s32 $0x12F80;
	v1 =	vmov s12;
	v3 =	vpop (erf)  }
0x13: {  	s11 =	simm.s32 $0x2;
	s5 =	sadd.s32 $0xFFFFFC80, s29;
	s12 =	simm.s32 $0x1;
	v2 =	vmul.f32 v2, v3;
	v3 =	vor.u32 $0x1, v1  }
.LBB2_1:
0x14: {  	[tilespmem:s1], [sflag:$0x1] =	stream.linear.gather [hbm4b:s5+s1], $0x9C00, $0x38;
	[tilespmem:$0x13800] =	vst v63  }
0x15: {  	v4 =	vmov s4  }
0x16: {  	[tilespmem:s10], [sflag:$0x2] =	stream.linear.gather [hbm4b:s3+s1], $0x80, $0x38;
	[tilespmem:$0x13800] =	vst v63  }
0x17: {  	_ =	swait.ge [sflag:s11], $0x80  }
0x18: {  	[sflag:s11] =	ssyncset.done $0x0  }
0x19: {  	[sflag:s11] =	ssyncadd.s32 $0xFFFFFF80  }
0x1a: {  	v4 =	vld.idx.msk [tilespmem:v4+s10+$0x0], $0xffff;
	_ =	sdelay $0x4  }
0x1b: {  	v5 =	vmul.f32 v4, v2;
	_ =	sdelay $0x1  }
0x1c: {  	v5 =	vmul.f32 $1.591549370e-01, v5;
	_ =	sdelay $0x1  }
0x1d: {  	v6 =	vadd.f32 $2.500000000e-01, v5  }
0x1e: {  	v7 =	vtrunc.f32 v5  }
0x1f: {  	v7 =	vcvt.f32.s32 v7;
	v8 =	vtrunc.f32 v6  }
0x20: {  	v8 =	vcvt.f32.s32 v8  }
0x21: {  	v7 =	vcvt.s32.f32 v7  }
0x22: {  	v8 =	vcvt.s32.f32 v8  }
0x23: {  	v5 =	vsub.f32 v5, v7  }
0x24: {  	v6 =	vsub.f32 v6, v8  }
0x25: {  	v7 =	vadd.f32 v5, v5  }
0x26: {  	v8 =	vadd.f32 v6, v6  }
0x27: {  	v7 =	vadd.f32 $5.000000000e-01, v7  }
0x28: {  	v8 =	vadd.f32 $5.000000000e-01, v8  }
0x29: {  	v7 =	vtrunc.f32 v7  }
0x2a: {  	v7 =	vcvt.f32.s32 v7;
	v8 =	vtrunc.f32 v8  }
0x2b: {  	v8 =	vcvt.f32.s32 v8  }
0x2c: {  	v9 =	vcvt.s32.f32 v7  }
0x2d: {  	v10 =	vcvt.s32.f32 v8  }
0x2e: {  	v9 =	vmul.f32 $5.000000000e-01, v9  }
0x2f: {  	v10 =	vmul.f32 $5.000000000e-01, v10  }
0x30: {  	v5 =	vsub.f32 v5, v9  }
0x31: {  	v6 =	vsub.f32 v6, v10  }
0x32: {  	v5 =	vmul.f32 $6.283185480e+00, v5  }
0x33: {  	v6 =	vmul.f32 $6.283185480e+00, v6  }
0x34: {  	v45 =	vmul.f32 v5, v5  }
0x35: {  	v46 =	vmul.f32 v6, v6  }
0x36: {  	v4 =	vmul.f32 $1.000000050e-03, v4;
	v11 =	vmul.f32 $2.590430090e-06, v45  }
0x37: {  	v12 =	vmul.f32 $2.590430090e-06, v46  }
0x38: {  	v4 =	vmul.f32 $3.200000000e+01, v4;
	v11 =	vadd.f32 $-1.980086530e-04, v11  }
0x39: {  	v12 =	vadd.f32 $-1.980086530e-04, v12  }
0x3a: {  	v13 =	vmul.f32 v4, v4;
	v11 =	vmul.f32 v11, v45  }
0x3b: {  	v12 =	vmul.f32 v12, v46  }
0x3c: {  	v14 =	vmul.f32 $-1.984127010e-04, v13;
	v11 =	vadd.f32 $8.332898840e-03, v11  }
0x3d: {  	v12 =	vadd.f32 $8.332898840e-03, v12  }
0x3e: {  	v14 =	vadd.f32 $8.333333770e-03, v14;
	v11 =	vmul.f32 v11, v45  }
0x3f: {  	v15 =	vmul.f32 $-1.388888920e-03, v13;
	v12 =	vmul.f32 v12, v46  }
0x40: {  	v14 =	vmul.f32 v14, v13;
	v11 =	vadd.f32 $-1.666664780e-01, v11  }
0x41: {  	v15 =	vadd.f32 $4.166666790e-02, v15;
	v12 =	vadd.f32 $-1.666664780e-01, v12  }
0x42: {  	v14 =	vadd.f32 $-1.666666720e-01, v14;
	v9 =	vmul.f32 v11, v45  }
0x43: {  	v47 =	vmul.f32 v15, v13;
	v10 =	vmul.f32 v12, v46  }
0x44: {  	v48 =	vmul.f32 v14, v13;
	v9 =	vadd.f32 $1.000000000e+00, v9  }
0x45: {  	v11 =	vadd.f32 $-5.000000000e-01, v47;
	v10 =	vadd.f32 $1.000000000e+00, v10  }
0x46: {  	v12 =	vmul.f32 v48, v4;
	v9 =	vmul.f32 v9, v5  }
0x47: {  	v7 =	vand.u32 $0x1, v7;
	v5 =	vmul.f32 v11, v13;
	v6 =	vmul.f32 v10, v6  }
0x48: {  	vm0 =	veq.s32 v7, $0x0;
	v4 =	vadd.f32 v12, v4;
	v49 =	vsub.f32 $0.0e+00, v9  }
0x49: {  	v8 =	vand.u32 $0x1, v8;
	v5 =	vadd.f32 $1.000000000e+00, v5;
	v7 =	vsub.f32 $0.0e+00, v6  }
0x4a: {  	vm15 =	veq.s32 v8, $0x0;
	v9 =	vsel vm0, v9, v49  }
0x4b: {  	v8 =	vmul.f32 v9, v5;
	v10 =	vmul.f32 v9, v4;
	v6 =	vsel vm15, v6, v7  }
0x4c: {  	v7 =	vmul.f32 v6, v4;
	v50 =	vmul.f32 v6, v5;
	_ =	sdelay $0x1  }
0x4d: {  	v7 =	vadd.f32 v7, v8;
	v8 =	vsub.f32 v50, v10;
	_ =	sdelay $0x1  }
0x4e: {  	v51 =	vmul.f32 v7, v5;
	v11 =	vmul.f32 v8, v4  }
0x4f: {  	v52 =	vmul.f32 v8, v5;
	v53 =	vmul.f32 v7, v4  }
0x50: {  	v10 =	vadd.f32 v11, v51  }
0x51: {  	v54 =	vsub.f32 v52, v53  }
0x52: {  	v55 =	vmul.f32 v10, v5;
	v56 =	vmul.f32 v10, v4  }
0x53: {  	v57 =	vmul.f32 v54, v4;
	v58 =	vmul.f32 v54, v5;
	_ =	sdelay $0x1  }
0x54: {  	v12 =	vadd.f32 v57, v55;
	v13 =	vsub.f32 v58, v56;
	_ =	sdelay $0x1  }
0x55: {  	s19 =	simm.s32 $0x0;
	v14 =	vmul.f32 v12, v5;
	v15 =	vmul.f32 v13, v4  }
0x56: {  	[tilespmem:s19+$0x13000] =	vst v9;
	v59 =	vmul.f32 v13, v5;
	v16 =	vmul.f32 v12, v4  }
0x57: {  	[tilespmem:s19+$0x13400] =	vst v6  }
0x58: {  	[tilespmem:s19+$0x13010] =	vst v7;
	v6 =	vadd.f32 v15, v14;
	v7 =	vsub.f32 v59, v16  }
0x59: {  	[tilespmem:s19+$0x13410] =	vst v8  }
0x5a: {  	[tilespmem:s19+$0x13020] =	vst v10;
	v8 =	vmul.f32 v6, v4;
	v9 =	vmul.f32 v7, v5  }
0x5b: {  	[tilespmem:s19+$0x13420] =	vst v54;
	v60 =	vmul.f32 v6, v5;
	v61 =	vmul.f32 v7, v4  }
0x5c: {  	[tilespmem:s19+$0x13030] =	vst v12;
	v8 =	vsub.f32 v9, v8  }
0x5d: {  	[tilespmem:s19+$0x13430] =	vst v13;
	v62 =	vadd.f32 v61, v60  }
0x5e: {  	[tilespmem:s19+$0x13040] =	vst v6;
	v6 =	vmul.f32 v8, v4;
	v63 =	vmul.f32 v8, v5  }
0x5f: {  	[tilespmem:s19+$0x13440] =	vst v7;
	v7 =	vmul.f32 v62, v5;
	v11 =	vmul.f32 v62, v4  }
0x60: {  	[tilespmem:s19+$0x13450] =	vst v8  }
0x61: {  	s16 =	simm.s32 $0x200;
	s17 =	simm.s32 $0x400;
	s18 =	sadd.s32 $0x1, s4;
	[tilespmem:s19+$0x13050] =	vst v62;
	v6 =	vadd.f32 v6, v7;
	v7 =	vsub.f32 v63, v11  }
.LBB2_2:
0x62: {  	p0 =	sne.s32 s17, $0xE00;
	v8 =	vmov s18;
	s20 =	smov.u32 s17;
	s17 =	sadd.s32 $0x200, s17  }
0x63: {  	[tilespmem:s19+$0x13060] =	vst v6;
	v9 =	vmul.f32 v6, v5;
	v10 =	vmul.f32 v7, v4  }
0x64: {  	v5 =	vmul.f32 v7, v5;
	v4 =	vmul.f32 v6, v4;
	[tilespmem:s19+$0x13460] =	vst v7  }
0x65: {  	v6 =	vadd.f32 v10, v9  }
0x66: {  	v4 =	vsub.f32 v5, v4  }
0x67: {  	[tilespmem:s19+$0x13070] =	vst v6  }
0x68: {  	[tilespmem:s19+$0x13470] =	vst v4  }
0x69: {  	v4 =	vld.idx.msk [tilespmem:v8+s10+$0x0], $0xffff;
	_ =	sdelay $0x5  }
0x6a: {  	v5 =	vmul.f32 $1.000000050e-03, v4;
	v4 =	vmul.f32 v4, v2;
	_ =	sdelay $0x1  }
0x6b: {  	v4 =	vmul.f32 $1.591549370e-01, v4;
	v5 =	vmul.f32 $3.200000000e+01, v5;
	_ =	sdelay $0x1  }
0x6c: {  	v6 =	vtrunc.f32 v4;
	v7 =	vadd.f32 $2.500000000e-01, v4;
	v8 =	vmul.f32 v5, v5  }
0x6d: {  	v6 =	vcvt.f32.s32 v6  }
0x6e: {  	v9 =	vtrunc.f32 v7;
	v10 =	vmul.f32 $-1.984127010e-04, v8  }
0x6f: {  	v6 =	vcvt.s32.f32 v6;
	v9 =	vcvt.f32.s32 v9  }
0x70: {  	v11 =	vmul.f32 $-1.388888920e-03, v8;
	v10 =	vadd.f32 $8.333333770e-03, v10  }
0x71: {  	v4 =	vsub.f32 v4, v6;
	v6 =	vcvt.s32.f32 v9  }
0x72: {  	v9 =	vmul.f32 v10, v8;
	v10 =	vadd.f32 $4.166666790e-02, v11  }
0x73: {  	v11 =	vadd.f32 v4, v4;
	v6 =	vsub.f32 v7, v6  }
0x74: {  	v7 =	vadd.f32 $-1.666666720e-01, v9;
	v9 =	vmul.f32 v10, v8  }
0x75: {  	v10 =	vadd.f32 $5.000000000e-01, v11;
	v11 =	vadd.f32 v6, v6  }
0x76: {  	v7 =	vmul.f32 v7, v8;
	v9 =	vadd.f32 $-5.000000000e-01, v9  }
0x77: {  	v10 =	vtrunc.f32 v10;
	v11 =	vadd.f32 $5.000000000e-01, v11  }
0x78: {  	v10 =	vcvt.f32.s32 v10;
	v7 =	vmul.f32 v7, v5  }
0x79: {  	v8 =	vmul.f32 v9, v8;
	v11 =	vtrunc.f32 v11  }
0x7a: {  	v9 =	vcvt.s32.f32 v10;
	v10 =	vand.u32 $0x1, v10;
	v11 =	vcvt.f32.s32 v11;
	_ =	sdelay $0x1  }
0x7b: {  	v9 =	vmul.f32 $5.000000000e-01, v9;
	v12 =	vcvt.s32.f32 v11;
	v11 =	vand.u32 $0x1, v11;
	_ =	sdelay $0x1  }
0x7c: {  	v4 =	vsub.f32 v4, v9;
	v9 =	vmul.f32 $5.000000000e-01, v12;
	_ =	sdelay $0x1  }
0x7d: {  	v4 =	vmul.f32 $6.283185480e+00, v4;
	v6 =	vsub.f32 v6, v9;
	_ =	sdelay $0x1  }
0x7e: {  	v9 =	vmul.f32 v4, v4;
	v6 =	vmul.f32 $6.283185480e+00, v6;
	_ =	sdelay $0x1  }
0x7f: {  	v12 =	vmul.f32 $2.590430090e-06, v9;
	v13 =	vmul.f32 v6, v6;
	_ =	sdelay $0x1  }
0x80: {  	v12 =	vadd.f32 $-1.980086530e-04, v12;
	v14 =	vmul.f32 $2.590430090e-06, v13;
	_ =	sdelay $0x1  }
0x81: {  	v12 =	vmul.f32 v12, v9;
	v14 =	vadd.f32 $-1.980086530e-04, v14;
	_ =	sdelay $0x1  }
0x82: {  	v12 =	vadd.f32 $8.332898840e-03, v12;
	v14 =	vmul.f32 v14, v13;
	_ =	sdelay $0x1  }
0x83: {  	v12 =	vmul.f32 v12, v9;
	v14 =	vadd.f32 $8.332898840e-03, v14;
	_ =	sdelay $0x1  }
0x84: {  	v12 =	vadd.f32 $-1.666664780e-01, v12;
	v14 =	vmul.f32 v14, v13;
	_ =	sdelay $0x1  }
0x85: {  	v9 =	vmul.f32 v12, v9;
	v12 =	vadd.f32 $-1.666664780e-01, v14;
	_ =	sdelay $0x1  }
0x86: {  	v9 =	vadd.f32 $1.000000000e+00, v9;
	v12 =	vmul.f32 v12, v13;
	_ =	sdelay $0x1  }
0x87: {  	v9 =	vmul.f32 v9, v4;
	v4 =	vadd.f32 $1.000000000e+00, v12;
	_ =	sdelay $0x1  }
0x88: {  	v12 =	vsub.f32 $0.0e+00, v9;
	v6 =	vmul.f32 v4, v6  }
0x89: {  	vm0 =	veq.s32 v10, $0x0;
	v4 =	vadd.f32 v7, v5;
	v5 =	vadd.f32 $1.000000000e+00, v8  }
0x8a: {  	s19 =	sshra.s32 s16, $0x2;
	s16 =	smov.u32 s20;
	v7 =	vsel vm0, v9, v12;
	v8 =	vsub.f32 $0.0e+00, v6  }
0x8b: {  	vm0 =	veq.s32 v11, $0x0;
	v9 =	vmul.f32 v7, v5;
	[tilespmem:s19+$0x13000] =	vst v7;
	v7 =	vmul.f32 v7, v4  }
0x8c: {  	v6 =	vsel vm0, v6, v8  }
0x8d: {  	v8 =	vmul.f32 v6, v4;
	[tilespmem:s19+$0x13400] =	vst v6;
	v6 =	vmul.f32 v6, v5;
	_ =	sdelay $0x1  }
0x8e: {  	v8 =	vadd.f32 v8, v9;
	v6 =	vsub.f32 v6, v7;
	_ =	sdelay $0x1  }
0x8f: {  	v7 =	vmul.f32 v8, v5;
	[tilespmem:s19+$0x13010] =	vst v8;
	v9 =	vmul.f32 v6, v4  }
0x90: {  	v8 =	vmul.f32 v8, v4;
	[tilespmem:s19+$0x13410] =	vst v6;
	v6 =	vmul.f32 v6, v5  }
0x91: {  	v7 =	vadd.f32 v9, v7  }
0x92: {  	v6 =	vsub.f32 v6, v8  }
0x93: {  	[tilespmem:s19+$0x13020] =	vst v7;
	v8 =	vmul.f32 v7, v5;
	v7 =	vmul.f32 v7, v4  }
0x94: {  	[tilespmem:s19+$0x13420] =	vst v6;
	v9 =	vmul.f32 v6, v4;
	v6 =	vmul.f32 v6, v5;
	_ =	sdelay $0x1  }
0x95: {  	v8 =	vadd.f32 v9, v8;
	v6 =	vsub.f32 v6, v7;
	_ =	sdelay $0x1  }
0x96: {  	[tilespmem:s19+$0x13030] =	vst v8;
	v7 =	vmul.f32 v8, v5;
	v9 =	vmul.f32 v6, v4  }
0x97: {  	v8 =	vmul.f32 v8, v4;
	[tilespmem:s19+$0x13430] =	vst v6;
	v6 =	vmul.f32 v6, v5  }
0x98: {  	v7 =	vadd.f32 v9, v7  }
0x99: {  	v6 =	vsub.f32 v6, v8  }
0x9a: {  	[tilespmem:s19+$0x13040] =	vst v7;
	v8 =	vmul.f32 v7, v4  }
0x9b: {  	v7 =	vmul.f32 v7, v5;
	[tilespmem:s19+$0x13440] =	vst v6;
	v9 =	vmul.f32 v6, v5  }
0x9c: {  	v6 =	vmul.f32 v6, v4  }
0x9d: {  	v8 =	vsub.f32 v9, v8  }
.Ltmp0:
0x9e: {  	v6 =	vadd.f32 v6, v7;
	(pc) =	sbr.rel @p0 .LBB2_2-.Ltmp0, $3  }
0x9f: {  	[tilespmem:s19+$0x13450] =	vst v8;
	v7 =	vmul.f32 v8, v4;
	v8 =	vmul.f32 v8, v5  }
0xa0: {  	v9 =	vmul.f32 v6, v5;
	v10 =	vmul.f32 v6, v4;
	[tilespmem:s19+$0x13050] =	vst v6;
	_ =	sdelay $0x1  }
0xa1: {  	s18 =	sadd.s32 $0x1, s18;
	v6 =	vadd.f32 v7, v9;
	v7 =	vsub.f32 v8, v10  }
0xa2: {  	_ = 	snop  }
0xa3: {  	v8 =	vmul.f32 v6, v5;
	v9 =	vmul.f32 v7, v4  }
0xa4: {  	v10 =	vmov s18;
	v5 =	vmul.f32 v7, v5;
	v4 =	vmul.f32 v6, v4  }
0xa5: {  	[tilespmem:s19+$0x13060] =	vst v6;
	v29 =	vadd.f32 v9, v8  }
0xa6: {  	[tilespmem:s19+$0x13460] =	vst v7;
	v4 =	vsub.f32 v5, v4  }
0xa7: {  	[tilespmem:s19+$0x13070] =	vst v29  }
0xa8: {  	[tilespmem:s19+$0x13470] =	vst v4  }
0xa9: {  	v4 =	vld.idx.msk [tilespmem:v10+s10+$0x0], $0xffff;
	_ =	sdelay $0x4  }
0xaa: {  	v5 =	vmul.f32 v4, v2;
	_ =	sdelay $0x1  }
0xab: {  	v5 =	vmul.f32 $1.591549370e-01, v5;
	_ =	sdelay $0x1  }
0xac: {  	v30 =	vadd.f32 $2.500000000e-01, v5  }
0xad: {  	v31 =	vtrunc.f32 v5  }
0xae: {  	v7 =	vcvt.f32.s32 v31;
	v32 =	vtrunc.f32 v30  }
0xaf: {  	v8 =	vcvt.f32.s32 v32  }
0xb0: {  	v7 =	vcvt.s32.f32 v7  }
0xb1: {  	v8 =	vcvt.s32.f32 v8  }
0xb2: {  	v5 =	vsub.f32 v5, v7  }
0xb3: {  	v6 =	vsub.f32 v30, v8  }
0xb4: {  	v7 =	vadd.f32 v5, v5  }
0xb5: {  	v8 =	vadd.f32 v6, v6  }
0xb6: {  	v7 =	vadd.f32 $5.000000000e-01, v7  }
0xb7: {  	v8 =	vadd.f32 $5.000000000e-01, v8  }
0xb8: {  	v7 =	vtrunc.f32 v7  }
0xb9: {  	v7 =	vcvt.f32.s32 v7;
	v8 =	vtrunc.f32 v8  }
0xba: {  	v8 =	vcvt.f32.s32 v8  }
0xbb: {  	v33 =	vcvt.s32.f32 v7  }
0xbc: {  	v34 =	vcvt.s32.f32 v8  }
0xbd: {  	v9 =	vmul.f32 $5.000000000e-01, v33  }
0xbe: {  	v10 =	vmul.f32 $5.000000000e-01, v34  }
0xbf: {  	v5 =	vsub.f32 v5, v9  }
0xc0: {  	v6 =	vsub.f32 v6, v10  }
0xc1: {  	v5 =	vmul.f32 $6.283185480e+00, v5  }
0xc2: {  	v6 =	vmul.f32 $6.283185480e+00, v6  }
0xc3: {  	v35 =	vmul.f32 v5, v5  }
0xc4: {  	v36 =	vmul.f32 v6, v6  }
0xc5: {  	v4 =	vmul.f32 $1.000000050e-03, v4;
	v11 =	vmul.f32 $2.590430090e-06, v35  }
0xc6: {  	v12 =	vmul.f32 $2.590430090e-06, v36  }
0xc7: {  	v4 =	vmul.f32 $3.200000000e+01, v4;
	v11 =	vadd.f32 $-1.980086530e-04, v11  }
0xc8: {  	v12 =	vadd.f32 $-1.980086530e-04, v12  }
0xc9: {  	v13 =	vmul.f32 v4, v4;
	v11 =	vmul.f32 v11, v35  }
0xca: {  	v12 =	vmul.f32 v12, v36  }
0xcb: {  	v14 =	vmul.f32 $-1.984127010e-04, v13;
	v11 =	vadd.f32 $8.332898840e-03, v11  }
0xcc: {  	v12 =	vadd.f32 $8.332898840e-03, v12  }
0xcd: {  	v14 =	vadd.f32 $8.333333770e-03, v14;
	v11 =	vmul.f32 v11, v35  }
0xce: {  	v15 =	vmul.f32 $-1.388888920e-03, v13;
	v12 =	vmul.f32 v12, v36  }
0xcf: {  	v14 =	vmul.f32 v14, v13;
	v11 =	vadd.f32 $-1.666664780e-01, v11  }
0xd0: {  	v15 =	vadd.f32 $4.166666790e-02, v15;
	v12 =	vadd.f32 $-1.666664780e-01, v12  }
0xd1: {  	v14 =	vadd.f32 $-1.666666720e-01, v14;
	v9 =	vmul.f32 v11, v35  }
0xd2: {  	v37 =	vmul.f32 v15, v13;
	v10 =	vmul.f32 v12, v36  }
0xd3: {  	v38 =	vmul.f32 v14, v13;
	v9 =	vadd.f32 $1.000000000e+00, v9  }
0xd4: {  	v11 =	vadd.f32 $-5.000000000e-01, v37;
	v10 =	vadd.f32 $1.000000000e+00, v10  }
0xd5: {  	v12 =	vmul.f32 v38, v4;
	v5 =	vmul.f32 v9, v5  }
0xd6: {  	v7 =	vand.u32 $0x1, v7;
	v39 =	vmul.f32 v11, v13;
	v6 =	vmul.f32 v10, v6  }
0xd7: {  	vm0 =	veq.s32 v7, $0x0;
	v4 =	vadd.f32 v12, v4;
	v40 =	vsub.f32 $0.0e+00, v5  }
0xd8: {  	v8 =	vand.u32 $0x1, v8;
	v41 =	vadd.f32 $1.000000000e+00, v39;
	v42 =	vsub.f32 $0.0e+00, v6  }
0xd9: {  	vm15 =	veq.s32 v8, $0x0;
	v5 =	vsel vm0, v5, v40  }
0xda: {  	v43 =	vmul.f32 v5, v41;
	v10 =	vmul.f32 v5, v4;
	v6 =	vsel vm15, v6, v42  }
0xdb: {  	v9 =	vmul.f32 v6, v4;
	v44 =	vmul.f32 v6, v41;
	_ =	sdelay $0x1  }
0xdc: {  	v8 =	vadd.f32 v9, v43;
	v45 =	vsub.f32 v44, v10;
	_ =	sdelay $0x1  }
0xdd: {  	v46 =	vmul.f32 v8, v41;
	v11 =	vmul.f32 v45, v4  }
0xde: {  	v47 =	vmul.f32 v45, v41;
	v48 =	vmul.f32 v8, v4  }
0xdf: {  	v10 =	vadd.f32 v11, v46  }
0xe0: {  	v49 =	vsub.f32 v47, v48  }
0xe1: {  	v50 =	vmul.f32 v10, v41;
	v51 =	vmul.f32 v10, v4  }
0xe2: {  	v52 =	vmul.f32 v49, v4;
	v53 =	vmul.f32 v49, v41;
	_ =	sdelay $0x1  }
0xe3: {  	v12 =	vadd.f32 v52, v50;
	v13 =	vsub.f32 v53, v51;
	_ =	sdelay $0x1  }
0xe4: {  	v14 =	vmul.f32 v12, v41;
	v15 =	vmul.f32 v13, v4  }
0xe5: {  	v16 =	vmul.f32 v13, v41;
	v17 =	vmul.f32 v12, v4;
	_ =	sdelay $0x1  }
0xe6: {  	s16 =	sshra.s32 s16, $0x2;
	v14 =	vadd.f32 v15, v14;
	v54 =	vsub.f32 v16, v17  }
0xe7: {  	[tilespmem:s16+$0x13000] =	vst v5  }
0xe8: {  	[tilespmem:s16+$0x13400] =	vst v6;
	v5 =	vmul.f32 v14, v4;
	v55 =	vmul.f32 v54, v41  }
0xe9: {  	[tilespmem:s16+$0x13010] =	vst v8;
	v56 =	vmul.f32 v14, v41;
	v16 =	vmul.f32 v54, v4  }
0xea: {  	[tilespmem:s16+$0x13410] =	vst v45;
	v5 =	vsub.f32 v55, v5  }
0xeb: {  	[tilespmem:s16+$0x13020] =	vst v10;
	v57 =	vadd.f32 v16, v56  }
0xec: {  	[tilespmem:s16+$0x13420] =	vst v49;
	v58 =	vmul.f32 v5, v4;
	v59 =	vmul.f32 v5, v41  }
0xed: {  	[tilespmem:s16+$0x13030] =	vst v12;
	v60 =	vmul.f32 v57, v41;
	v61 =	vmul.f32 v57, v4  }
0xee: {  	[tilespmem:s16+$0x13430] =	vst v13  }
0xef: {  	[tilespmem:s16+$0x13040] =	vst v14;
	v8 =	vadd.f32 v58, v60;
	v9 =	vsub.f32 v59, v61  }
0xf0: {  	[tilespmem:s16+$0x13440] =	vst v54  }
0xf1: {  	[tilespmem:s16+$0x13450] =	vst v5;
	v5 =	vmul.f32 v8, v41;
	v62 =	vmul.f32 v9, v4  }
0xf2: {  	[tilespmem:s16+$0x13050] =	vst v57;
	v63 =	vmul.f32 v9, v41;
	v4 =	vmul.f32 v8, v4  }
0xf3: {  	[tilespmem:s16+$0x13060] =	vst v8;
	v5 =	vadd.f32 v62, v5  }
0xf4: {  	[tilespmem:s16+$0x13460] =	vst v9;
	v4 =	vsub.f32 v63, v4  }
0xf5: {  	[tilespmem:s16+$0x13070] =	vst v5  }
0xf6: {  	[tilespmem:s16+$0x13470] =	vst v4  }
0xf7: {  	_ =	swait.ge [sflag:s12], $0x9C00  }
0xf8: {  	s17 =	simm.s32 $0x40;
	[sflag:s12] =	ssyncset.done $0x0  }
0xf9: {  	s18 =	simm.s32 $0x9C40;
	s16 =	simm.s32 $0x0;
	[sflag:s12] =	ssyncadd.s32 $0xFFFF6400  }
.LBB2_4:
0xfa: {  	v7 =	vld [tilespmem:s17+$0x30]  }
0xfb: {  	v8 =	vld [tilespmem:s17+$0xFFFFFFD0]  }
0xfc: {  	v9 =	vld [tilespmem:s17+$0xFFFFFFE0]  }
0xfd: {  	v6 =	vld [tilespmem:s17+$0xFFFFFFF0]  }
0xfe: {  	s19 =	simm.s32 $0x11C40;
	v4 =	vld [tilespmem:s17+$0x0]  }
0xff: {  	v5 =	vld [tilespmem:s17+$0x10];
	[tilespmem:s19+$0x30] =	vst v7  }
0x100: {  	[tilespmem:s19+$0xFFFFFFD0] =	vst v8;
	v7 =	vld [tilespmem:s17+$0x20]  }
0x101: {  	s20 =	simm.s32 $0x0;
	s21 =	sadd.s32 $0x400, s17;
	v8 =	vld [tilespmem:s17+$0xFFFFFFC0];
	[tilespmem:s19+$0xFFFFFFE0] =	vst v9  }
.LBB2_5:
0x102: {  	v9 =	vld [tilespmem:s21+$0x30];
	s20 =	sadd.s32 $0x8, s20;
	[tilespmem:s19+$0xFFFFFFF0] =	vst v6  }
0x103: {  	v10 =	vld [tilespmem:s21+$0xFFFFFFD0];
	p0 =	slt.u32 s20, $0x130;
	[tilespmem:s19+$0x0] =	vst v4  }
0x104: {  	v11 =	vld [tilespmem:s21+$0xFFFFFFE0];
	[tilespmem:s19+$0x10] =	vst v5  }
.Ltmp1:
0x105: {  	v6 =	vld [tilespmem:s21+$0xFFFFFFF0];
	[tilespmem:s19+$0x20] =	vst v7;
	(pc) =	sbr.rel @p0 .LBB2_5-.Ltmp1, $4  }
0x106: {  	v4 =	vld [tilespmem:s21+$0x0];
	[tilespmem:s19+$0xFFFFFFC0] =	vst v8;
	s19 =	sadd.s32 $0x80, s19  }
0x107: {  	v5 =	vld [tilespmem:s21+$0x10];
	[tilespmem:s19+$0x30] =	vst v9  }
0x108: {  	[tilespmem:s19+$0xFFFFFFD0] =	vst v10;
	v7 =	vld [tilespmem:s21+$0x20]  }
0x109: {  	v8 =	vld [tilespmem:s21+$0xFFFFFFC0];
	[tilespmem:s19+$0xFFFFFFE0] =	vst v11;
	s21 =	sadd.s32 $0x400, s21  }
0x10a: {  	s20 =	sor.u32 s4, s16  }
0x10b: {  	[tilespmem:s19+$0xFFFFFFF0] =	vst v6;
	v9 =	vmov s20  }
0x10c: {  	[tilespmem:s19+$0x0] =	vst v4;
	v4 =	vor.u32 $0x10, v9  }
0x10d: {  	[tilespmem:s19+$0x10] =	vst v5;
	v5 =	vor.u32 $0x20, v9  }
0x10e: {  	[tilespmem:s19+$0x20] =	vst v7  }
0x10f: {  	[tilespmem:s19+$0xFFFFFFC0] =	vst v8  }
0x110: {  	v6 =	vld.idx.msk [tilespmem:v9+s10+$0x0], $0xffff  }
0x111: {  	v7 =	vld.idx.msk [tilespmem:v4+s10+$0x0], $0xffff  }
0x112: {  	s26 =	simm.s32 $0x0;
	s29 =	simm.s32 $0x1;
	v4 =	vld.idx.msk [tilespmem:v5+s10+$0x0], $0xffff  }
0x113: {  	s21 =	simm.s32 $0x2;
	s22 =	simm.s32 $0x3;
	s23 =	simm.s32 $0x4  }
0x114: {  	s24 =	simm.s32 $0x5;
	s25 =	simm.s32 $0x6;
	s20 =	sand.u32 $0x19, s29  }
0x115: {  	s21 =	sand.u32 $0x1A, s21;
	s22 =	sand.u32 $0x1B, s22;
	s19 =	sand.u32 $0x18, s26  }
0x116: {  	s23 =	sand.u32 $0x1C, s23;
	s20 =	scvt.s32.f32 s20;
	s19 =	scvt.s32.f32 s19;
	v5 =	vmul.f32 $1.000000050e-03, v6  }
0x117: {  	s31 =	sand.u32 $0x1D, s24;
	s21 =	scvt.s32.f32 s21;
	s22 =	scvt.s32.f32 s22;
	v6 =	vmul.f32 v4, v7  }
0x118: {  	s0 =	sand.u32 $0x1E, s25;
	s30 =	scvt.s32.f32 s23;
	s2 =	scvt.s32.f32 s31;
	v10 =	vmul.f32 s19, v5;
	v11 =	vmul.f32 s20, v5  }
0x119: {  	s14 =	scvt.s32.f32 s0;
	v12 =	vmul.f32 s21, v5;
	v13 =	vmul.f32 s22, v5  }
0x11a: {  	v14 =	vmul.f32 s30, v5;
	v15 =	vmul.f32 s2, v5  }
0x11b: {  	v16 =	vmul.f32 s14, v5;
	v8 =	vmul.f32 v10, v10  }
0x11c: {  	s23 =	sshll.u32 s16, $0x7;
	s0 =	simm.s32 $0x40;
	v17 =	vmul.f32 v11, v11;
	v18 =	vmul.f32 v12, v12  }
0x11d: {  	[dreg:$0x4] =	wrdreg s23;
	s23 =	scvt.s32.f32 s0;
	v19 =	vmul.f32 v13, v13;
	v20 =	vmul.f32 v14, v14  }
0x11e: {  	v21 =	vmul.f32 v15, v15;
	v23 =	vmul.f32 v16, v16  }
0x11f: {  	s23 =	sadd.f32 s23, s6;
	v22 =	vmul.f32 $5.000000000e-01, v8;
	v24 =	vmul.f32 $5.000000000e-01, v17  }
0x120: {  	v25 =	vmul.f32 $5.000000000e-01, v18;
	v26 =	vmul.f32 $5.000000000e-01, v19  }
0x121: {  	v53 =	vadd.f32 s23, v0;
	v27 =	vmul.f32 $5.000000000e-01, v20;
	v28 =	vmul.f32 $5.000000000e-01, v21  }
0x122: {  	v7 =	vor.u32 $0x30, v9;
	s22 =	simm.s32 $0x7;
	v29 =	vmul.f32 $5.000000000e-01, v23;
	v30 =	vmul.f32 $1.666666720e-01, v8  }
0x123: {  	s19 =	sand.u32 $0x1F, s22;
	v17 =	vmul.f32 $1.666666720e-01, v17;
	v8 =	vor.u32 $0x40, v9;
	v9 =	vmul.f32 $1.666666720e-01, v18  }
0x124: {  	s19 =	scvt.s32.f32 s19;
	v18 =	vmul.f32 $1.666666720e-01, v19;
	v20 =	vmul.f32 $1.666666720e-01, v20;
	v19 =	vsub.f32 $1.000000000e+00, v22  }
0x125: {  	s24 =	simm.s32 $0x0;
	v21 =	vmul.f32 $1.666666720e-01, v21;
	v30 =	vsub.f32 $1.000000000e+00, v30;
	v24 =	vsub.f32 $1.000000000e+00, v24  }
0x126: {  	s20 =	rddreg [dreg:$0x4];
	v22 =	vmul.f32 s19, v5;
	s19 =	sand.u32 $0x70, s24;
	v17 =	vsub.f32 $1.000000000e+00, v17;
	v9 =	vsub.f32 $1.000000000e+00, v9  }
0x127: {  	v23 =	vmul.f32 $1.666666720e-01, v23;
	v18 =	vsub.f32 $1.000000000e+00, v18;
	v20 =	vsub.f32 $1.000000000e+00, v20;
	s19 =	sor.u32 s20, s19  }
0x128: {  	s2 =	simm.s32 $0x50;
	v21 =	vsub.f32 $1.000000000e+00, v21;
	v31 =	vmul.f32 v22, v22;
	v10 =	vmul.f32 v30, v10;
	v33 =	vld [tilespmem:s19+$0x13400]  }
0x129: {  	s25 =	simm.s32 $0x70;
	s24 =	scvt.s32.f32 s2;
	v11 =	vmul.f32 v17, v11;
	v9 =	vmul.f32 v9, v12;
	v12 =	vsub.f32 $1.000000000e+00, v23  }
0x12a: {  	s14 =	simm.s32 $0x60;
	v32 =	vld [tilespmem:s19+$0x13000];
	v13 =	vmul.f32 v18, v13;
	v23 =	vsub.f32 $1.000000000e+00, v25;
	v14 =	vmul.f32 v20, v14;
	s19 =	scvt.s32.f32 s25  }
0x12b: {  	v15 =	vmul.f32 v21, v15;
	v20 =	vsub.f32 $1.000000000e+00, v26;
	s25 =	scvt.s32.f32 s14;
	s24 =	sadd.f32 s24, s6;
	v52 =	vmul.f32 $1.666666720e-01, v31  }
0x12c: {  	v21 =	vsub.f32 $1.000000000e+00, v27;
	v18 =	vmul.f32 $5.000000000e-01, v31;
	v12 =	vmul.f32 v12, v16  }
0x12d: {  	s25 =	sadd.f32 s25, s6;
	v54 =	vadd.f32 s24, v0;
	v10 =	vmul.f32 v33, v10;
	v11 =	vmul.f32 v33, v11  }
0x12e: {  	v17 =	vsub.f32 $1.000000000e+00, v52;
	v9 =	vmul.f32 v33, v9;
	v13 =	vmul.f32 v33, v13  }
0x12f: {  	v60 =	vld [tilespmem:s9+$0xFFFFFF90];
	s30 =	simm.s32 $0x20;
	v55 =	vadd.f32 s25, v0;
	v14 =	vmul.f32 v33, v14;
	v15 =	vmul.f32 v33, v15  }
0x130: {  	s21 =	scvt.s32.f32 s30;
	v8 =	vld.idx.msk [tilespmem:v8+s10+$0x0], $0xffff;
	v16 =	vmul.f32 v17, v22;
	v17 =	vsub.f32 $1.000000000e+00, v18;
	v18 =	vmul.f32 v32, v19  }
0x131: {  	v12 =	vmul.f32 v33, v12;
	v19 =	vmul.f32 v32, v24;
	v22 =	vsub.f32 $1.000000000e+00, v28  }
0x132: {  	s31 =	simm.s32 $0x30;
	s21 =	sadd.f32 s21, s6;
	v17 =	vmul.f32 v32, v17;
	v16 =	vmul.f32 v33, v16;
	v10 =	vadd.f32 v10, v18  }
0x133: {  	s29 =	simm.s32 $0x10;
	s22 =	scvt.s32.f32 s31;
	v11 =	vadd.f32 v11, v19;
	v18 =	vmul.f32 v32, v20;
	v19 =	vsub.f32 $1.000000000e+00, v29  }
0x134: {  	s20 =	scvt.s32.f32 s29;
	s19 =	sadd.f32 s19, s6;
	v20 =	vmul.f32 v32, v21;
	v21 =	vmul.f32 v32, v22;
	v22 =	vadd.f32 s21, v0  }
0x135: {  	s22 =	sadd.f32 s22, s6;
	v31 =	vmul.f32 v60, v8;
	v16 =	vadd.f32 v16, v17;
	v13 =	vadd.f32 v13, v18  }
0x136: {  	s20 =	sadd.f32 s20, s6;
	v17 =	vmul.f32 v32, v23;
	v14 =	vadd.f32 v14, v20;
	v18 =	vadd.f32 s19, v0  }
0x137: {  	v15 =	vadd.f32 v15, v21;
	v10 =	vmul.f32 v10, v6;
	v11 =	vmul.f32 v11, v6  }
0x138: {  	v21 =	vadd.f32 s20, v0;
	v23 =	vadd.f32 s22, v0;
	v16 =	vmul.f32 v16, v6  }
0x139: {  	s26 =	simm.s32 $0x0;
	v9 =	vadd.f32 v9, v17;
	v17 =	vmul.f32 v32, v19;
	v13 =	vmul.f32 v13, v6  }
0x13a: {  	s19 =	scvt.s32.f32 s26;
	v14 =	vmul.f32 v14, v6;
	v10 =	vadd.f32 v10, v4;
	v11 =	vadd.f32 v11, v4  }
0x13b: {  	v15 =	vmul.f32 v15, v6;
	v16 =	vadd.f32 v16, v4;
	v12 =	vadd.f32 v12, v17  }
0x13c: {  	s19 =	sadd.f32 s19, s6;
	v9 =	vmul.f32 v9, v6;
	v13 =	vadd.f32 v13, v4;
	v14 =	vadd.f32 v14, v4  }
0x13d: {  	v15 =	vadd.f32 v15, v4;
	v10 =	vmax.f32 v10, $1.000000000e+00;
	v11 =	vmax.f32 v11, $1.000000000e+00  }
0x13e: {  	v20 =	vadd.f32 s19, v0;
	v10 =	vmin.f32 v10, $8.000000000e+02;
	v11 =	vmin.f32 v11, $8.000000000e+02  }
0x13f: {  	v16 =	vmax.f32 v16, $1.000000000e+00;
	v12 =	vmul.f32 v12, v6;
	v9 =	vadd.f32 v9, v4  }
0x140: {  	v13 =	vmax.f32 v13, $1.000000000e+00;
	v14 =	vmax.f32 v14, $1.000000000e+00;
	v15 =	vmax.f32 v15, $1.000000000e+00  }
0x141: {  	v61 =	vld [tilespmem:s9+$0xFFFFFFA0];
	v10 =	vsub.f32 v20, v10;
	v11 =	vsub.f32 v21, v11;
	v16 =	vmin.f32 v16, $8.000000000e+02  }
0x142: {  	v13 =	vmin.f32 v13, $8.000000000e+02;
	v14 =	vmin.f32 v14, $8.000000000e+02;
	v16 =	vsub.f32 v18, v16  }
0x143: {  	v15 =	vmin.f32 v15, $8.000000000e+02;
	v12 =	vadd.f32 v12, v4;
	v13 =	vsub.f32 v23, v13  }
0x144: {  	s19 =	simm.s32 $0x8;
	v9 =	vmax.f32 v9, $1.000000000e+00;
	v14 =	vsub.f32 v53, v14;
	v15 =	vsub.f32 v54, v15  }
0x145: {  	s21 =	sand.u32 $0x18, s19;
	v21 =	vmax.f32 v10, $0.0e+00;
	vm5 =	vge.f32 v11, $0.0e+00;
	v17 =	vmax.f32 v16, $0.0e+00  }
0x146: {  	v56 =	vld [tilespmem:s9+$0x0];
	s20 =	scvt.s32.f32 s21;
	v53 =	vmul.f32 v61, v8;
	v9 =	vmin.f32 v9, $8.000000000e+02;
	v18 =	vtrunc.f32 v17  }
0x147: {  	v63 =	vld [tilespmem:s9+$0xFFFFFFC0];
	v57 =	vtrunc.f32 v21;
	vm0 =	vge.f32 v16, $0.0e+00;
	v18 =	vcvt.f32.s32 v18  }
0x148: {  	v62 =	vld [tilespmem:s9+$0xFFFFFFB0];
	v12 =	vmax.f32 v12, $1.000000000e+00;
	v20 =	vsub.f32 v22, v9;
	v9 =	vmul.f32 s20, v5  }
0x149: {  	v35 =	vld [tilespmem:s9+$0xFFFFFFD0];
	v22 =	vmax.f32 v11, $0.0e+00;
	v24 =	vmax.f32 v14, $0.0e+00;
	v16 =	vadd.s32 v18, v1  }
0x14a: {  	v37 =	vld [tilespmem:s9+$0xFFFFFFE0];
	v25 =	vmax.f32 v15, $0.0e+00;
	v27 =	vcvt.f32.s32 v57;
	v19 =	vadd.s32 v18, v3  }
0x14b: {  	vm1 =	vge.f32 v13, $0.0e+00;
	vm4 =	vge.f32 v14, $0.0e+00;
	vm2 =	vge.f32 v15, $0.0e+00  }
0x14c: {  	s22 =	simm.s32 $0x9;
	v57 =	vmul.f32 v63, v8;
	v12 =	vmin.f32 v12, $8.000000000e+02;
	v59 =	vtrunc.f32 v24  }
0x14d: {  	s20 =	sand.u32 $0x19, s22;
	v23 =	vmax.f32 v20, $0.0e+00;
	vm3 =	vge.f32 v20, $0.0e+00;
	v20 =	vmul.f32 v56, v8  }
0x14e: {  	s20 =	scvt.s32.f32 s20;
	v12 =	vsub.f32 v55, v12;
	v30 =	vcvt.f32.s32 v59;
	v56 =	vmul.f32 v62, v8;
	v16 =	vld.idx.msk [tilespmem:v16+s13+$0x0], vm0  }
0x14f: {  	v34 =	vadd.s32 v27, v3;
	v59 =	vmul.f32 v35, v8;
	v62 =	vmul.f32 v37, v8;
	v19 =	vld.idx.msk [tilespmem:v19+s13+$0x0], vm0  }
0x150: {  	v63 =	vmul.f32 s20, v5;
	v18 =	vcvt.s32.f32 v18;
	v28 =	vmax.f32 v12, $0.0e+00  }
0x151: {  	v44 =	vadd.s32 v30, v1;
	v45 =	vadd.s32 v30, v3;
	v11 =	vtrunc.f32 v28  }
0x152: {  	v11 =	vcvt.f32.s32 v11;
	vm0 =	vge.f32 v10, $0.0e+00;
	v10 =	vtrunc.f32 v23  }
0x153: {  	s24 =	simm.s32 $0xB;
	v51 =	vcvt.s32.f32 v30;
	v17 =	vsub.f32 v17, v18;
	v10 =	vcvt.f32.s32 v10  }
0x154: {  	s29 =	simm.s32 $0xC;
	s22 =	sand.u32 $0x1B, s24;
	v15 =	vadd.s32 v11, v1;
	v49 =	vadd.s32 v11, v3;
	v18 =	vsub.f32 v19, v16  }
0x155: {  	v40 =	vld [tilespmem:s9+$0xFFFFFFF0];
	s26 =	scvt.s32.f32 s22;
	s22 =	sand.u32 $0x1C, s29;
	v11 =	vcvt.s32.f32 v11;
	v39 =	vadd.s32 v10, v1;
	v19 =	vmax.f32 v13, $0.0e+00  }
0x156: {  	v7 =	vld.idx.msk [tilespmem:v7+s10+$0x0], $0xffff;
	s31 =	scvt.s32.f32 s22;
	v13 =	vadd.s32 v27, v1;
	v58 =	vtrunc.f32 v19;
	v17 =	vmul.f32 v18, v17  }
0x157: {  	v61 =	vld.idx.msk [tilespmem:v45+s13+$0x0], vm4;
	v41 =	vadd.s32 v10, v3;
	v18 =	vtrunc.f32 v22;
	v29 =	vcvt.f32.s32 v58  }
0x158: {  	v24 =	vsub.f32 v24, v51;
	v45 =	vmul.f32 s31, v5;
	v58 =	vld.idx.msk [tilespmem:v44+s13+$0x0], vm4;
	v18 =	vcvt.f32.s32 v18  }
0x159: {  	v34 =	vld.idx.msk [tilespmem:v34+s13+$0x0], vm0;
	v16 =	vadd.f32 v17, v16;
	v17 =	vtrunc.f32 v25;
	v42 =	vadd.s32 v29, v1  }
0x15a: {  	v52 =	vld.idx.msk [tilespmem:v39+s13+$0x0], vm3;
	v36 =	vadd.s32 v18, v1;
	v38 =	vadd.s32 v18, v3;
	v18 =	vcvt.s32.f32 v18  }
0x15b: {  	v11 =	vsub.f32 v28, v11;
	v10 =	vcvt.s32.f32 v10;
	v17 =	vcvt.f32.s32 v17;
	v13 =	vld.idx.msk [tilespmem:v13+s13+$0x0], vm0  }
0x15c: {  	v27 =	vcvt.s32.f32 v27;
	v43 =	vadd.s32 v29, v3;
	v18 =	vsub.f32 v22, v18;
	v22 =	vld.idx.msk [tilespmem:v41+s13+$0x0], vm3  }
0x15d: {  	v10 =	vsub.f32 v23, v10;
	v46 =	vadd.s32 v17, v1;
	v35 =	vsub.f32 v61, v58  }
0x15e: {  	v44 =	vmul.f32 s26, v5;
	vm0 =	vge.f32 v12, $0.0e+00;
	v14 =	vadd.s32 v17, v3;
	v23 =	vld.idx.msk [tilespmem:v42+s13+$0x0], vm1  }
0x15f: {  	v21 =	vsub.f32 v21, v27;
	v50 =	vcvt.s32.f32 v29;
	v24 =	vmul.f32 v35, v24;
	v12 =	vld.idx.msk [tilespmem:v36+s13+$0x0], vm5  }
0x160: {  	s23 =	simm.s32 $0xA;
	v16 =	vmul.f32 v16, v7;
	v17 =	vcvt.s32.f32 v17;
	v48 =	vld.idx.msk [tilespmem:v38+s13+$0x0], vm5;
	v54 =	vsub.f32 v34, v13  }
0x161: {  	s21 =	sand.u32 $0x1A, s23;
	v55 =	vld.idx.msk [tilespmem:v43+s13+$0x0], vm1;
	v43 =	vmul.f32 v40, v8;
	v24 =	vadd.f32 v24, v58;
	v22 =	vsub.f32 v22, v52  }
0x162: {  	s25 =	scvt.s32.f32 s21;
	v19 =	vsub.f32 v19, v50;
	v21 =	vmul.f32 v21, v54;
	v42 =	vld.idx.msk [tilespmem:v46+s13+$0x0], vm2;
	v46 =	vmul.f32 v45, v45  }
0x163: {  	v16 =	vadd.f32 v16, v20;
	v14 =	vld.idx.msk [tilespmem:v14+s13+$0x0], vm2;
	v24 =	vmul.f32 v24, v7;
	v10 =	vmul.f32 v22, v10  }
0x164: {  	v15 =	vld.idx.msk [tilespmem:v15+s13+$0x0], vm0;
	v13 =	vadd.f32 v21, v13;
	v21 =	vmul.f32 s25, v5;
	v51 =	vmul.f32 $5.000000000e-01, v46  }
0x165: {  	v22 =	vld.idx.msk [tilespmem:v49+s13+$0x0], vm0;
	v30 =	vmul.f32 $1.666666720e-01, v46;
	v60 =	vsub.f32 v48, v12;
	v10 =	vadd.f32 v10, v52  }
0x166: {  	v17 =	vsub.f32 v25, v17;
	v13 =	vmul.f32 v13, v7;
	v20 =	vmul.f32 v21, v21  }
0x167: {  	s30 =	simm.s32 $0xD;
	v30 =	vsub.f32 $1.000000000e+00, v30;
	v18 =	vmul.f32 v18, v60;
	v10 =	vmul.f32 v10, v7  }
0x168: {  	s0 =	sand.u32 $0x1D, s30;
	v14 =	vsub.f32 v14, v42;
	v49 =	vmul.f32 $5.000000000e-01, v20;
	v20 =	vmul.f32 $1.666666720e-01, v20  }
0x169: {  	s21 =	scvt.s32.f32 s0;
	v30 =	vmul.f32 v30, v45;
	v12 =	vadd.f32 v18, v12;
	v18 =	vsub.f32 v55, v23  }
0x16a: {  	s2 =	simm.s32 $0xE;
	v14 =	vmul.f32 v14, v17;
	v17 =	vsub.f32 v22, v15;
	v22 =	vmul.f32 v9, v9  }
0x16b: {  	s14 =	sand.u32 $0x1E, s2;
	v20 =	vsub.f32 $1.000000000e+00, v20;
	v18 =	vmul.f32 v18, v19;
	v19 =	vmul.f32 s21, v5  }
0x16c: {  	s20 =	scvt.s32.f32 s14;
	v12 =	vmul.f32 v12, v7;
	v14 =	vadd.f32 v14, v42;
	v11 =	vmul.f32 v17, v11  }
0x16d: {  	v17 =	vmul.f32 v63, v63;
	v20 =	vmul.f32 v20, v21  }
0x16e: {  	v18 =	vadd.f32 v18, v23;
	v23 =	vmul.f32 s20, v5;
	v14 =	vmul.f32 v14, v7  }
0x16f: {  	v11 =	vadd.f32 v11, v15;
	v15 =	vmul.f32 v44, v44;
	v47 =	vmul.f32 v19, v19  }
0x170: {  	v27 =	vadd.f32 v12, v53;
	v12 =	vmul.f32 $5.000000000e-01, v22;
	v48 =	vmul.f32 $5.000000000e-01, v17  }
0x171: {  	v24 =	vadd.f32 v24, v59;
	v22 =	vmul.f32 $1.666666720e-01, v22;
	v17 =	vmul.f32 $1.666666720e-01, v17  }
0x172: {  	s22 =	simm.s32 $0xF;
	v13 =	vadd.f32 v13, v31;
	v18 =	vmul.f32 v18, v7;
	v11 =	vmul.f32 v11, v7  }
0x173: {  	v25 =	vadd.f32 v10, v56;
	s20 =	sand.u32 $0x1F, s22;
	v10 =	vmul.f32 v23, v23;
	v50 =	vmul.f32 $5.000000000e-01, v15  }
0x174: {  	s21 =	simm.s32 $0x4;
	s20 =	scvt.s32.f32 s20;
	v52 =	vmul.f32 $5.000000000e-01, v47;
	v28 =	vadd.f32 v14, v62;
	v15 =	vmul.f32 $1.666666720e-01, v15  }
0x175: {  	s23 =	rddreg [dreg:$0x4];
	s24 =	sand.u32 $0x70, s21;
	v12 =	vsub.f32 $1.000000000e+00, v12;
	v22 =	vsub.f32 $1.000000000e+00, v22;
	v31 =	vmul.f32 $1.666666720e-01, v47  }
0x176: {  	v17 =	vsub.f32 $1.000000000e+00, v17;
	v59 =	vsub.f32 $1.000000000e+00, v48;
	v53 =	vmul.f32 s20, v5;
	s20 =	sor.u32 s23, s24  }
0x177: {  	v62 =	vsub.f32 $1.000000000e+00, v51;
	v18 =	vadd.f32 v18, v57;
	v14 =	vmul.f32 $5.000000000e-01, v10;
	v55 =	vld [tilespmem:s20+$0x13000]  }
0x178: {  	v15 =	vsub.f32 $1.000000000e+00, v15;
	v10 =	vmul.f32 $1.666666720e-01, v10;
	v57 =	vld [tilespmem:s20+$0x13400];
	v54 =	vmul.f32 v53, v53  }
0x179: {  	v9 =	vmul.f32 v22, v9;
	v22 =	vsub.f32 $1.000000000e+00, v31;
	v17 =	vmul.f32 v17, v63  }
0x17a: {  	v10 =	vsub.f32 $1.000000000e+00, v10;
	v15 =	vmul.f32 v15, v44;
	v56 =	vmul.f32 $1.666666720e-01, v54  }
0x17b: {  	s30 =	simm.s32 $0xA0;
	v11 =	vadd.f32 v11, v43;
	v19 =	vmul.f32 v22, v19;
	v58 =	vmul.f32 $5.000000000e-01, v54  }
0x17c: {  	s24 =	scvt.s32.f32 s30;
	v10 =	vmul.f32 v10, v23;
	v21 =	vsub.f32 $1.000000000e+00, v56;
	v12 =	vmul.f32 v55, v12  }
0x17d: {  	s29 =	simm.s32 $0x90;
	v61 =	vsub.f32 $1.000000000e+00, v50;
	v60 =	vmul.f32 v55, v59;
	v9 =	vmul.f32 v57, v9  }
0x17e: {  	s23 =	scvt.s32.f32 s29;
	s29 =	sadd.f32 s24, s6;
	v22 =	vsub.f32 $1.000000000e+00, v58;
	v17 =	vmul.f32 v57, v17;
	v21 =	vmul.f32 v21, v53  }
0x17f: {  	v14 =	vsub.f32 $1.000000000e+00, v14;
	v20 =	vmul.f32 v57, v20;
	v15 =	vmul.f32 v57, v15  }
0x180: {  	[tilespmem:s18+$0x20] =	vst v11;
	v11 =	vadd.f32 s29, v0;
	v22 =	vmul.f32 v55, v22;
	v21 =	vmul.f32 v57, v21  }
0x181: {  	v30 =	vmul.f32 v57, v30;
	v19 =	vmul.f32 v57, v19;
	v9 =	vadd.f32 v9, v12  }
0x182: {  	v63 =	vmul.f32 v55, v62;
	v17 =	vadd.f32 v17, v60;
	v21 =	vadd.f32 v21, v22  }
0x183: {  	s22 =	simm.s32 $0xF0;
	v23 =	vsub.f32 $1.000000000e+00, v49;
	v14 =	vmul.f32 v55, v14;
	v9 =	vmul.f32 v9, v6  }
0x184: {  	s25 =	scvt.s32.f32 s22;
	v17 =	vmul.f32 v17, v6;
	v22 =	vsub.f32 $1.000000000e+00, v52;
	v12 =	vmul.f32 v21, v6  }
0x185: {  	v9 =	vadd.f32 v9, v4;
	v21 =	vmul.f32 v55, v23;
	v23 =	vmul.f32 v55, v61  }
0x186: {  	s20 =	sadd.f32 s25, s6;
	v17 =	vadd.f32 v17, v4;
	v22 =	vmul.f32 v55, v22;
	v12 =	vadd.f32 v12, v4  }
0x187: {  	v10 =	vmul.f32 v57, v10;
	v20 =	vadd.f32 v20, v21;
	v15 =	vadd.f32 v15, v23  }
0x188: {  	v21 =	vadd.f32 s20, v0;
	v19 =	vadd.f32 v19, v22;
	v12 =	vmax.f32 v12, $1.000000000e+00  }
0x189: {  	v23 =	vadd.f32 v30, v63;
	v22 =	vmax.f32 v17, $1.000000000e+00;
	v12 =	vmin.f32 v12, $8.000000000e+02  }
0x18a: {  	s26 =	simm.s32 $0x80;
	v15 =	vmul.f32 v15, v6;
	v19 =	vmul.f32 v19, v6;
	v21 =	vsub.f32 v21, v12  }
0x18b: {  	s20 =	scvt.s32.f32 s26;
	v12 =	vadd.f32 v10, v14;
	v14 =	vmul.f32 v20, v6;
	v20 =	vmul.f32 v23, v6  }
0x18c: {  	s31 =	simm.s32 $0xB0;
	[tilespmem:s18+$0x30] =	vst v16;
	v15 =	vadd.f32 v15, v4;
	v23 =	vmax.f32 v9, $1.000000000e+00;
	v10 =	vmax.f32 v21, $0.0e+00  }
0x18d: {  	s28 =	simm.s32 $0xD0;
	[tilespmem:s18+$0x0] =	vst v24;
	s25 =	scvt.s32.f32 s31;
	s20 =	sadd.f32 s20, s6;
	v16 =	vmul.f32 v12, v6;
	v14 =	vadd.f32 v14, v4;
	v20 =	vadd.f32 v20, v4  }
0x18e: {  	s28 =	scvt.s32.f32 s28;
	[tilespmem:s18+$0xFFFFFFC0] =	vst v13;
	s30 =	simm.s32 $0xE0;
	s23 =	sadd.f32 s23, s6;
	vm0 =	vge.f32 v21, $0.0e+00;
	v21 =	vadd.f32 v19, v4;
	v12 =	vtrunc.f32 v10  }
0x18f: {  	[tilespmem:s18+$0xFFFFFFE0] =	vst v25;
	s30 =	scvt.s32.f32 s30;
	s24 =	sadd.f32 s25, s6;
	s26 =	simm.s32 $0xC0;
	v17 =	vmax.f32 v15, $1.000000000e+00;
	v15 =	vadd.f32 s20, v0;
	v12 =	vcvt.f32.s32 v12  }
0x190: {  	[tilespmem:s18+$0xFFFFFFD0] =	vst v27;
	s25 =	sadd.f32 s28, s6;
	s26 =	scvt.s32.f32 s26;
	v16 =	vadd.f32 v16, v4;
	v19 =	vmax.f32 v14, $1.000000000e+00;
	v14 =	vmax.f32 v20, $1.000000000e+00  }
0x191: {  	[tilespmem:s18+$0xFFFFFFF0] =	vst v18;
	s28 =	sadd.f32 s30, s6;
	v18 =	vmax.f32 v21, $1.000000000e+00;
	v20 =	vmin.f32 v23, $8.000000000e+02;
	v21 =	vadd.f32 s23, v0  }
0x192: {  	[tilespmem:s18+$0x10] =	vst v28;
	s26 =	sadd.f32 s26, s6;
	s20 =	smov.u32 s18;
	s23 =	smov.u32 s9;
	v13 =	vadd.s32 v12, v1;
	v9 =	vadd.s32 v12, v3;
	v16 =	vmax.f32 v16, $1.000000000e+00  }
.LBB2_7:
0x193: {  	_ = 	snop  }
0x194: {  	v22 =	vmin.f32 v22, $8.000000000e+02;
	v19 =	vmin.f32 v19, $8.000000000e+02;
	v23 =	vadd.f32 s24, v0  }
0x195: {  	v17 =	vmin.f32 v17, $8.000000000e+02;
	v24 =	vadd.f32 s26, v0;
	v25 =	vadd.f32 s25, v0  }
0x196: {  	v12 =	vcvt.s32.f32 v12;
	v26 =	vadd.f32 s28, v0;
	v15 =	vsub.f32 v15, v20  }
0x197: {  	v13 =	vld.idx.msk [tilespmem:v13+s13+$0x0], vm0;
	v14 =	vmin.f32 v14, $8.000000000e+02;
	v20 =	vsub.f32 v21, v22;
	v11 =	vsub.f32 v11, v19  }
0x198: {  	v27 =	vld.idx.msk [tilespmem:v9+s13+$0x0], vm0;
	v18 =	vmin.f32 v18, $8.000000000e+02;
	v10 =	vsub.f32 v10, v12;
	v17 =	vsub.f32 v23, v17  }
0x199: {  	v16 =	vmin.f32 v16, $8.000000000e+02;
	s24 =	smov.u32 s19;
	s19 =	sadd.s32 $0x8, s19;
	v14 =	vsub.f32 v24, v14;
	v18 =	vsub.f32 v25, v18  }
0x19a: {  	s14 =	sand.u32 $0x18, s19;
	v19 =	vmax.f32 v15, $0.0e+00;
	v21 =	vmax.f32 v20, $0.0e+00;
	v16 =	vsub.f32 v26, v16  }
0x19b: {  	s29 =	scvt.s32.f32 s14;
	v22 =	vmax.f32 v11, $0.0e+00;
	vm0 =	vge.f32 v15, $0.0e+00;
	vm4 =	vge.f32 v20, $0.0e+00  }
0x19c: {  	s23 =	sadd.s32 $0x80, s23;
	vm2 =	vge.f32 v11, $0.0e+00;
	v58 =	vtrunc.f32 v19;
	v30 =	vtrunc.f32 v22  }
0x19d: {  	v57 =	vld [tilespmem:s23+$0x0];
	v9 =	vmul.f32 s29, v5;
	v12 =	vsub.f32 v27, v13;
	v23 =	vmax.f32 v17, $0.0e+00  }
0x19e: {  	v24 =	vmax.f32 v14, $0.0e+00;
	v25 =	vmax.f32 v18, $0.0e+00;
	v29 =	vmax.f32 v16, $0.0e+00  }
0x19f: {  	v27 =	vcvt.f32.s32 v58;
	vm1 =	vge.f32 v17, $0.0e+00;
	v10 =	vmul.f32 v12, v10  }
0x1a0: {  	v28 =	vld [tilespmem:s23+$0xFFFFFF90];
	v30 =	vcvt.f32.s32 v30;
	vm5 =	vge.f32 v14, $0.0e+00;
	vm3 =	vge.f32 v18, $0.0e+00  }
0x1a1: {  	v31 =	vld [tilespmem:s23+$0xFFFFFFB0];
	v32 =	vtrunc.f32 v23;
	v33 =	vtrunc.f32 v24;
	v10 =	vadd.f32 v10, v13  }
0x1a2: {  	v35 =	vld [tilespmem:s23+$0xFFFFFFF0];
	v26 =	vmul.f32 v57, v8;
	v12 =	vtrunc.f32 v21;
	v36 =	vadd.s32 v27, v3  }
0x1a3: {  	s31 =	sadd.s32 $0xA, s24;
	v15 =	vld [tilespmem:s23+$0xFFFFFFA0];
	v32 =	vcvt.f32.s32 v32;
	v39 =	vadd.s32 v30, v3;
	v10 =	vmul.f32 v10, v7  }
0x1a4: {  	v11 =	vld [tilespmem:s23+$0xFFFFFFD0];
	s26 =	sand.u32 $0x1A, s31;
	v20 =	vtrunc.f32 v25;
	v59 =	vadd.s32 v27, v1;
	v12 =	vcvt.f32.s32 v12  }
0x1a5: {  	s28 =	sadd.s32 $0xB, s24;
	s0 =	scvt.s32.f32 s26;
	v17 =	vld [tilespmem:s23+$0xFFFFFFE0];
	v34 =	vtrunc.f32 v29;
	v40 =	vadd.s32 v32, v1;
	v10 =	vadd.f32 v10, v26  }
0x1a6: {  	s20 =	sadd.s32 $0x400, s20;
	s28 =	sand.u32 $0x1B, s28;
	v28 =	vmul.f32 v28, v8;
	v18 =	vcvt.s32.f32 v30;
	v13 =	vld [tilespmem:s23+$0xFFFFFFC0];
	v37 =	vadd.s32 v12, v1  }
0x1a7: {  	s2 =	scvt.s32.f32 s28;
	v35 =	vmul.f32 v35, v8;
	v53 =	vmul.f32 s0, v5;
	v36 =	vld.idx.msk [tilespmem:v36+s13+$0x0], vm0;
	[tilespmem:s20+$0x30] =	vst v10;
	v10 =	vadd.s32 v12, v3  }
0x1a8: {  	v33 =	vcvt.f32.s32 v33;
	v41 =	vadd.s32 v32, v3;
	v18 =	vsub.f32 v22, v18;
	v22 =	vld.idx.msk [tilespmem:v39+s13+$0x0], vm2  }
0x1a9: {  	s28 =	sadd.s32 $0xC, s24;
	v54 =	vmul.f32 s2, v5;
	v20 =	vcvt.f32.s32 v20;
	v38 =	vadd.s32 v30, v1;
	v26 =	vld.idx.msk [tilespmem:v59+s13+$0x0], vm0  }
0x1aa: {  	s28 =	sand.u32 $0x1C, s28;
	v34 =	vcvt.f32.s32 v34;
	v27 =	vcvt.s32.f32 v27;
	v42 =	vadd.s32 v33, v1;
	v63 =	vld.idx.msk [tilespmem:v40+s13+$0x0], vm1  }
0x1ab: {  	s14 =	scvt.s32.f32 s28;
	v15 =	vmul.f32 v15, v8;
	v44 =	vadd.s32 v20, v1;
	vm0 =	vge.f32 v16, $0.0e+00;
	v16 =	vld.idx.msk [tilespmem:v37+s13+$0x0], vm4  }
0x1ac: {  	v11 =	vmul.f32 v11, v8;
	v45 =	vadd.s32 v20, v3;
	v12 =	vcvt.s32.f32 v12;
	v10 =	vld.idx.msk [tilespmem:v10+s13+$0x0], vm4  }
0x1ad: {  	s29 =	sadd.s32 $0xD, s24;
	v55 =	vmul.f32 s14, v5;
	v43 =	vadd.s32 v33, v3;
	v19 =	vsub.f32 v19, v27;
	v47 =	vld.idx.msk [tilespmem:v41+s13+$0x0], vm1  }
0x1ae: {  	s30 =	sadd.s32 $0x9, s24;
	s31 =	sadd.s32 $0xE, s24;
	s26 =	sand.u32 $0x1D, s29;
	v60 =	vcvt.s32.f32 v32;
	v12 =	vsub.f32 v21, v12;
	v21 =	vld.idx.msk [tilespmem:v38+s13+$0x0], vm2;
	v39 =	vsub.f32 v36, v26  }
0x1af: {  	s25 =	sand.u32 $0x19, s30;
	s30 =	scvt.s32.f32 s26;
	s26 =	sand.u32 $0x1E, s31;
	v14 =	vadd.s32 v34, v1;
	v61 =	vcvt.s32.f32 v33;
	v20 =	vcvt.s32.f32 v20;
	v48 =	vld.idx.msk [tilespmem:v42+s13+$0x0], vm5  }
0x1b0: {  	s0 =	scvt.s32.f32 s26;
	v46 =	vadd.s32 v34, v3;
	v62 =	vcvt.s32.f32 v34;
	v51 =	vld.idx.msk [tilespmem:v44+s13+$0x0], vm3;
	v19 =	vmul.f32 v19, v39  }
0x1b1: {  	v17 =	vmul.f32 v17, v8;
	v23 =	vsub.f32 v23, v60;
	v52 =	vld.idx.msk [tilespmem:v45+s13+$0x0], vm3;
	v49 =	vsub.f32 v10, v16  }
0x1b2: {  	v57 =	vmul.f32 s0, v5;
	v24 =	vsub.f32 v24, v61;
	v50 =	vld.idx.msk [tilespmem:v43+s13+$0x0], vm5;
	v19 =	vadd.f32 v19, v26  }
0x1b3: {  	v40 =	vmul.f32 v31, v8;
	v22 =	vsub.f32 v22, v21;
	v12 =	vmul.f32 v12, v49  }
0x1b4: {  	s25 =	scvt.s32.f32 s25;
	v20 =	vsub.f32 v25, v20;
	v13 =	vmul.f32 v13, v8;
	v14 =	vld.idx.msk [tilespmem:v14+s13+$0x0], vm0;
	v19 =	vmul.f32 v19, v7  }
0x1b5: {  	v12 =	vadd.f32 v12, v16;
	v16 =	vmul.f32 v22, v18;
	v18 =	vsub.f32 v47, v63;
	v22 =	vld.idx.msk [tilespmem:v46+s13+$0x0], vm0  }
0x1b6: {  	v56 =	vsub.f32 v52, v51;
	v10 =	vmul.f32 s25, v5;
	v19 =	vadd.f32 v19, v28  }
0x1b7: {  	v16 =	vadd.f32 v16, v21;
	v18 =	vmul.f32 v18, v23;
	v21 =	vsub.f32 v50, v48  }
0x1b8: {  	v29 =	vsub.f32 v29, v62;
	[tilespmem:s20+$0xFFFFFFC0] =	vst v19;
	v19 =	vmul.f32 v56, v20;
	v12 =	vmul.f32 v12, v7  }
0x1b9: {  	v23 =	vmul.f32 s30, v5;
	v18 =	vadd.f32 v18, v63;
	v21 =	vmul.f32 v21, v24  }
0x1ba: {  	v12 =	vadd.f32 v12, v15;
	v15 =	vmul.f32 v16, v7;
	v20 =	vsub.f32 v22, v14  }
0x1bb: {  	v22 =	vmul.f32 v53, v53;
	v16 =	vadd.f32 v21, v48;
	v21 =	vmul.f32 v9, v9  }
0x1bc: {  	[tilespmem:s20+$0xFFFFFFD0] =	vst v12;
	v12 =	vadd.f32 v15, v40;
	v15 =	vmul.f32 v18, v7;
	v18 =	vadd.f32 v19, v51  }
0x1bd: {  	v19 =	vmul.f32 v20, v29;
	v20 =	vmul.f32 v10, v10  }
0x1be: {  	v16 =	vmul.f32 v16, v7;
	[tilespmem:s20+$0xFFFFFFE0] =	vst v12;
	v12 =	vadd.f32 v15, v13;
	v13 =	vmul.f32 v18, v7  }
0x1bf: {  	v15 =	vmul.f32 v54, v54;
	v14 =	vadd.f32 v19, v14;
	v18 =	vmul.f32 $5.000000000e-01, v20  }
0x1c0: {  	v19 =	vmul.f32 $5.000000000e-01, v22;
	v20 =	vmul.f32 $1.666666720e-01, v20;
	v11 =	vadd.f32 v16, v11  }
0x1c1: {  	v16 =	vmul.f32 v55, v55;
	[tilespmem:s20+$0xFFFFFFF0] =	vst v12;
	v12 =	vmul.f32 v23, v23  }
0x1c2: {  	[tilespmem:s20+$0x0] =	vst v11;
	v11 =	vadd.f32 v13, v17;
	v13 =	vmul.f32 v14, v7;
	v14 =	vmul.f32 $5.000000000e-01, v21  }
0x1c3: {  	v17 =	vmul.f32 v57, v57;
	v58 =	vmul.f32 $5.000000000e-01, v16  }
0x1c4: {  	s24 =	sadd.s32 $0xF, s24;
	v18 =	vsub.f32 $1.000000000e+00, v18;
	v59 =	vmul.f32 $5.000000000e-01, v12;
	v16 =	vmul.f32 $1.666666720e-01, v16  }
0x1c5: {  	s24 =	sand.u32 $0x1F, s24;
	v12 =	vmul.f32 $1.666666720e-01, v12;
	[tilespmem:s20+$0x10] =	vst v11;
	v11 =	vadd.f32 v13, v35;
	v13 =	vmul.f32 $5.000000000e-01, v15  }
0x1c6: {  	s21 =	sadd.s32 $0x4, s21;
	s24 =	scvt.s32.f32 s24;
	v20 =	vsub.f32 $1.000000000e+00, v20;
	v60 =	vmul.f32 $5.000000000e-01, v17;
	v15 =	vmul.f32 $1.666666720e-01, v15  }
0x1c7: {  	s2 =	rddreg [dreg:$0x4];
	s14 =	sand.u32 $0x70, s21;
	v14 =	vsub.f32 $1.000000000e+00, v14;
	v17 =	vmul.f32 $1.666666720e-01, v17;
	[tilespmem:s20+$0x20] =	vst v11;
	v11 =	vmul.f32 $1.666666720e-01, v21  }
0x1c8: {  	v16 =	vsub.f32 $1.000000000e+00, v16;
	v21 =	vmul.f32 $1.666666720e-01, v22;
	v22 =	vmul.f32 s24, v5;
	s24 =	sor.u32 s2, s14  }
0x1c9: {  	v10 =	vmul.f32 v20, v10;
	v15 =	vsub.f32 $1.000000000e+00, v15;
	v17 =	vsub.f32 $1.000000000e+00, v17;
	v62 =	vld [tilespmem:s24+$0x13000]  }
0x1ca: {  	v16 =	vmul.f32 v16, v55;
	v63 =	vld [tilespmem:s24+$0x13400];
	v11 =	vsub.f32 $1.000000000e+00, v11;
	v61 =	vmul.f32 v22, v22  }
0x1cb: {  	v21 =	vsub.f32 $1.000000000e+00, v21;
	v15 =	vmul.f32 v15, v54;
	v17 =	vmul.f32 v17, v57  }
0x1cc: {  	v9 =	vmul.f32 v11, v9;
	v11 =	vsub.f32 $1.000000000e+00, v12;
	v12 =	vmul.f32 $1.666666720e-01, v61  }
0x1cd: {  	v19 =	vsub.f32 $1.000000000e+00, v19;
	v20 =	vmul.f32 v21, v53;
	v21 =	vmul.f32 $5.000000000e-01, v61  }
0x1ce: {  	v13 =	vsub.f32 $1.000000000e+00, v13;
	v11 =	vmul.f32 v11, v23;
	v14 =	vmul.f32 v62, v14  }
0x1cf: {  	v12 =	vsub.f32 $1.000000000e+00, v12;
	v18 =	vmul.f32 v62, v18;
	v9 =	vmul.f32 v63, v9  }
0x1d0: {  	v21 =	vsub.f32 $1.000000000e+00, v21;
	v10 =	vmul.f32 v63, v10;
	v20 =	vmul.f32 v63, v20  }
0x1d1: {  	v23 =	vsub.f32 $1.000000000e+00, v59;
	v15 =	vmul.f32 v63, v15;
	v13 =	vmul.f32 v62, v13  }
0x1d2: {  	s22 =	sadd.s32 $0x80, s22;
	v12 =	vmul.f32 v12, v22;
	v22 =	vsub.f32 $1.000000000e+00, v58;
	v21 =	vmul.f32 v62, v21  }
0x1d3: {  	s14 =	scvt.s32.f32 s22;
	v9 =	vadd.f32 v9, v14;
	v14 =	vmul.f32 v63, v16;
	v16 =	vmul.f32 v63, v17  }
0x1d4: {  	v10 =	vadd.f32 v10, v18;
	v17 =	vmul.f32 v62, v19;
	v12 =	vmul.f32 v63, v12  }
0x1d5: {  	s26 =	sadd.f32 s14, s6;
	v11 =	vmul.f32 v63, v11;
	v18 =	vsub.f32 $1.000000000e+00, v60;
	v13 =	vadd.f32 v15, v13  }
0x1d6: {  	v19 =	vmul.f32 v62, v22;
	v17 =	vadd.f32 v20, v17;
	v12 =	vadd.f32 v12, v21  }
0x1d7: {  	v15 =	vmul.f32 v62, v18;
	v18 =	vadd.f32 s26, v0;
	v9 =	vmul.f32 v9, v6  }
0x1d8: {  	v21 =	vmul.f32 v62, v23;
	v14 =	vadd.f32 v14, v19;
	v12 =	vmul.f32 v12, v6  }
0x1d9: {  	s25 =	sadd.s32 $0xFFFFFF90, s22;
	v15 =	vadd.f32 v16, v15;
	v16 =	vmul.f32 v10, v6;
	v9 =	vadd.f32 v9, v4  }
0x1da: {  	s30 =	sadd.s32 $0xFFFFFFD0, s22;
	s24 =	scvt.s32.f32 s25;
	v13 =	vmul.f32 v13, v6;
	v11 =	vadd.f32 v11, v21;
	v12 =	vadd.f32 v12, v4  }
0x1db: {  	s31 =	sadd.s32 $0xFFFFFFE0, s22;
	s26 =	scvt.s32.f32 s30;
	v14 =	vmul.f32 v14, v6;
	v15 =	vmul.f32 v15, v6;
	v16 =	vadd.f32 v16, v4  }
0x1dc: {  	s2 =	sadd.s32 $0xFFFFFFA0, s22;
	s30 =	scvt.s32.f32 s31;
	s31 =	sadd.f32 s24, s6;
	v21 =	vmax.f32 v9, $1.000000000e+00;
	v11 =	vmul.f32 v11, v6;
	v12 =	vmax.f32 v12, $1.000000000e+00  }
0x1dd: {  	s28 =	sadd.s32 $0xFFFFFFB0, s22;
	s29 =	sadd.s32 $0xFFFFFFC0, s22;
	s25 =	scvt.s32.f32 s2;
	v14 =	vadd.f32 v14, v4;
	v20 =	vadd.f32 v15, v4;
	v12 =	vmin.f32 v12, $8.000000000e+02  }
0x1de: {  	s28 =	scvt.s32.f32 s28;
	s29 =	scvt.s32.f32 s29;
	s0 =	sadd.s32 $0xFFFFFFF0, s22;
	v22 =	vmax.f32 v16, $1.000000000e+00;
	v15 =	vadd.f32 s31, v0;
	v18 =	vsub.f32 v18, v12  }
0x1df: {  	p0 =	slt.u32 s19, $0xF8;
	s0 =	scvt.s32.f32 s0;
	s2 =	sadd.f32 s25, s6;
	v11 =	vadd.f32 v11, v4;
	v14 =	vmax.f32 v14, $1.000000000e+00;
	v12 =	vmul.f32 v17, v6  }
.Ltmp2:
0x1e0: {  	s14 =	sadd.f32 s28, s6;
	v16 =	vmax.f32 v20, $1.000000000e+00;
	v20 =	vmin.f32 v21, $8.000000000e+02;
	v10 =	vmax.f32 v18, $0.0e+00;
	(pc) =	sbr.rel @p0 .LBB2_7-.Ltmp2, $4  }
0x1e1: {  	s28 =	sadd.f32 s0, s6;
	v21 =	vadd.f32 s2, v0;
	v19 =	vadd.f32 v12, v4;
	v17 =	vtrunc.f32 v10  }
0x1e2: {  	s24 =	sadd.f32 s29, s6;
	vm0 =	vge.f32 v18, $0.0e+00;
	v12 =	vcvt.f32.s32 v17;
	v17 =	vadd.f32 v13, v4  }
0x1e3: {  	s26 =	sadd.f32 s26, s6;
	v18 =	vmax.f32 v11, $1.000000000e+00;
	v11 =	vadd.f32 s14, v0;
	v19 =	vmax.f32 v19, $1.000000000e+00  }
0x1e4: {  	s25 =	sadd.f32 s30, s6;
	v13 =	vadd.s32 v12, v1;
	v9 =	vadd.s32 v12, v3;
	v17 =	vmax.f32 v17, $1.000000000e+00  }
0x1e5: {  	v4 =	vmin.f32 v22, $8.000000000e+02;
	v5 =	vadd.f32 s24, v0  }
0x1e6: {  	v6 =	vadd.f32 s26, v0;
	v19 =	vmin.f32 v19, $8.000000000e+02;
	v23 =	vadd.f32 s28, v0  }
0x1e7: {  	v17 =	vmin.f32 v17, $8.000000000e+02;
	v14 =	vmin.f32 v14, $8.000000000e+02;
	v18 =	vmin.f32 v18, $8.000000000e+02  }
0x1e8: {  	v15 =	vsub.f32 v15, v20;
	v16 =	vmin.f32 v16, $8.000000000e+02;
	v40 =	vadd.f32 s25, v0  }
0x1e9: {  	v12 =	vcvt.s32.f32 v12;
	v4 =	vsub.f32 v21, v4;
	v11 =	vsub.f32 v11, v19  }
0x1ea: {  	v5 =	vsub.f32 v5, v17;
	v6 =	vsub.f32 v6, v14;
	v42 =	vmax.f32 v15, $0.0e+00  }
0x1eb: {  	v13 =	vld.idx.msk [tilespmem:v13+s13+$0x0], vm0;
	v16 =	vsub.f32 v23, v16;
	v10 =	vsub.f32 v10, v12;
	v45 =	vtrunc.f32 v42  }
0x1ec: {  	v9 =	vld.idx.msk [tilespmem:v9+s13+$0x0], vm0;
	s19 =	sadd.s32 $0x80, s23;
	vm12 =	vge.f32 v15, $0.0e+00;
	v43 =	vmax.f32 v4, $0.0e+00;
	v20 =	vcvt.f32.s32 v45  }
0x1ed: {  	v47 =	vld [tilespmem:s19+$0x0];
	v41 =	vsub.f32 v40, v18;
	v19 =	vmax.f32 v11, $0.0e+00;
	v48 =	vtrunc.f32 v43  }
0x1ee: {  	v25 =	vld [tilespmem:s19+$0xFFFFFF90];
	vm1 =	vge.f32 v4, $0.0e+00;
	v49 =	vcvt.f32.s32 v48;
	v50 =	vadd.s32 v20, v1  }
0x1ef: {  	v26 =	vld [tilespmem:s19+$0xFFFFFFA0];
	vm2 =	vge.f32 v11, $0.0e+00;
	v27 =	vtrunc.f32 v19;
	v4 =	vadd.s32 v20, v3  }
0x1f0: {  	v28 =	vld [tilespmem:s19+$0xFFFFFFB0];
	v44 =	vmax.f32 v5, $0.0e+00;
	v27 =	vcvt.f32.s32 v27;
	v30 =	vadd.s32 v49, v1  }
0x1f1: {  	v32 =	vld [tilespmem:s19+$0xFFFFFFC0];
	v46 =	vmax.f32 v6, $0.0e+00;
	v29 =	vtrunc.f32 v44;
	v51 =	vadd.s32 v49, v3  }
0x1f2: {  	v52 =	vld [tilespmem:s19+$0xFFFFFFD0];
	v24 =	vmax.f32 v16, $0.0e+00;
	v29 =	vcvt.f32.s32 v29;
	v33 =	vadd.s32 v27, v1  }
0x1f3: {  	vm3 =	vge.f32 v5, $0.0e+00;
	v31 =	vtrunc.f32 v46;
	v5 =	vadd.s32 v27, v3;
	v15 =	vld.idx.msk [tilespmem:v50+s13+$0x0], vm12  }
0x1f4: {  	vm13 =	vge.f32 v6, $0.0e+00;
	v31 =	vcvt.f32.s32 v31;
	v36 =	vadd.s32 v29, v1;
	v4 =	vld.idx.msk [tilespmem:v4+s13+$0x0], vm12  }
0x1f5: {  	vm15 =	vge.f32 v16, $0.0e+00;
	v35 =	vtrunc.f32 v24;
	v37 =	vadd.s32 v29, v3;
	v53 =	vld.idx.msk [tilespmem:v30+s13+$0x0], vm1  }
0x1f6: {  	v22 =	vmax.f32 v41, $0.0e+00;
	v35 =	vcvt.f32.s32 v35;
	v55 =	vadd.s32 v31, v1;
	v11 =	vld.idx.msk [tilespmem:v51+s13+$0x0], vm1  }
0x1f7: {  	v9 =	vsub.f32 v9, v13;
	v34 =	vtrunc.f32 v22;
	v38 =	vadd.s32 v31, v3;
	v56 =	vld.idx.msk [tilespmem:v33+s13+$0x0], vm2  }
0x1f8: {  	vm14 =	vge.f32 v41, $0.0e+00;
	v54 =	vcvt.f32.s32 v34;
	v39 =	vadd.s32 v35, v1;
	v5 =	vld.idx.msk [tilespmem:v5+s13+$0x0], vm2  }
0x1f9: {  	v23 =	vmul.f32 v47, v8;
	v9 =	vmul.f32 v9, v10;
	v60 =	vadd.s32 v35, v3;
	v59 =	vld.idx.msk [tilespmem:v36+s13+$0x0], vm3  }
0x1fa: {  	v20 =	vcvt.s32.f32 v20;
	v25 =	vmul.f32 v25, v8;
	v57 =	vadd.s32 v54, v1;
	v37 =	vld.idx.msk [tilespmem:v37+s13+$0x0], vm3  }
0x1fb: {  	v48 =	vmul.f32 v32, v8;
	v9 =	vadd.f32 v9, v13;
	v58 =	vadd.s32 v54, v3;
	v63 =	vld.idx.msk [tilespmem:v55+s13+$0x0], vm13  }
0x1fc: {  	v10 =	vcvt.s32.f32 v49;
	v27 =	vcvt.s32.f32 v27;
	v17 =	vsub.f32 v42, v20;
	v42 =	vld.idx.msk [tilespmem:v38+s13+$0x0], vm13  }
0x1fd: {  	v49 =	vmul.f32 v52, v8;
	v9 =	vmul.f32 v9, v7;
	v45 =	vld.idx.msk [tilespmem:v39+s13+$0x0], vm15  }
0x1fe: {  	v61 =	vcvt.s32.f32 v29;
	v62 =	vcvt.s32.f32 v31;
	v10 =	vsub.f32 v43, v10;
	v47 =	vld.idx.msk [tilespmem:v60+s13+$0x0], vm15  }
0x1ff: {  	v41 =	vcvt.s32.f32 v35;
	v19 =	vsub.f32 v19, v27;
	v9 =	vadd.f32 v9, v23;
	v23 =	vld.idx.msk [tilespmem:v57+s13+$0x0], vm14  }
0x200: {  	v40 =	vcvt.s32.f32 v54;
	v12 =	vsub.f32 v44, v61;
	v21 =	vsub.f32 v46, v62;
	v44 =	vld.idx.msk [tilespmem:v58+s13+$0x0], vm14  }
0x201: {  	v43 =	vmul.f32 v26, v8;
	v24 =	vsub.f32 v24, v41;
	v4 =	vsub.f32 v4, v15  }
0x202: {  	v46 =	vmul.f32 v28, v8;
	v18 =	vsub.f32 v22, v40;
	v11 =	vsub.f32 v11, v53  }
0x203: {  	v5 =	vsub.f32 v5, v56;
	v4 =	vmul.f32 v17, v4;
	v50 =	vsub.f32 v37, v59  }
0x204: {  	v51 =	vsub.f32 v42, v63;
	v54 =	vsub.f32 v47, v45;
	v10 =	vmul.f32 v10, v11  }
0x205: {  	v5 =	vmul.f32 v5, v19;
	v52 =	vsub.f32 v44, v23;
	v4 =	vadd.f32 v4, v15  }
0x206: {  	v12 =	vmul.f32 v50, v12;
	v15 =	vmul.f32 v54, v24;
	v6 =	vadd.f32 v10, v53  }
0x207: {  	v5 =	vadd.f32 v5, v56;
	v53 =	vld [tilespmem:s19+$0xFFFFFFE0];
	v10 =	vmul.f32 v51, v21;
	v4 =	vmul.f32 v4, v7  }
0x208: {  	v55 =	vld [tilespmem:s19+$0xFFFFFFF0];
	v13 =	vmul.f32 v52, v18;
	v12 =	vadd.f32 v12, v59;
	v6 =	vmul.f32 v6, v7  }
0x209: {  	s0 =	sadd.s32 $0x400, s20;
	v5 =	vmul.f32 v5, v7;
	v10 =	vadd.f32 v10, v63;
	v4 =	vadd.f32 v4, v25  }
0x20a: {  	[tilespmem:s0+$0x30] =	vst v9;
	v57 =	vadd.f32 v13, v23;
	v56 =	vmul.f32 v12, v7;
	v6 =	vadd.f32 v6, v43  }
0x20b: {  	s16 =	sadd.s32 $0x1, s16;
	v58 =	vadd.f32 v15, v45;
	[tilespmem:s0+$0xFFFFFFC0] =	vst v4;
	v4 =	vadd.f32 v5, v46;
	v5 =	vmul.f32 v10, v7  }
0x20c: {  	p0 =	sne.s32 s16, $0x8;
	v61 =	vmul.f32 v57, v7;
	v59 =	vmul.f32 v53, v8;
	v60 =	vadd.f32 v56, v48;
	[tilespmem:s0+$0xFFFFFFD0] =	vst v6  }
.Ltmp3:
0x20d: {  	v62 =	vmul.f32 v55, v8;
	[tilespmem:s0+$0xFFFFFFE0] =	vst v4;
	v4 =	vadd.f32 v5, v49;
	v5 =	vmul.f32 v58, v7;
	(pc) =	sbr.rel @p0 .LBB2_4-.Ltmp3, $4  }
0x20e: {  	[tilespmem:s0+$0xFFFFFFF0] =	vst v60;
	v63 =	vadd.f32 v61, v59  }
0x20f: {  	[tilespmem:s0+$0x0] =	vst v4;
	v4 =	vadd.f32 v5, v62  }
0x210: {  	[tilespmem:s0+$0x10] =	vst v63  }
0x211: {  	s17 =	sadd.s32 $0x80, s17;
	s18 =	sadd.s32 $0x80, s18;
	[tilespmem:s0+$0x20] =	vst v4  }
0x212: {  	s15 =	sadd.s32 $0x1, s15  }
0x213: {  	p0 =	sne.s32 s15, s8  }
.Ltmp4:
0x214: {  	s0 =	simm.s32 $0x9C00;
	(pc) =	sbr.rel @p0 .LBB2_1-.Ltmp4, $4  }
0x215: {  	[hbm4b:s7+s1] =	stream.linear.scatter [tilespmem:s0], [sflag:$0x2], $0x8000, $0x38;
	[tilespmem:$0x13800] =	vst v63  }
0x216: {  	_ =	swait.ge [sflag:s11], $0x8000  }
0x217: {  	[sflag:s11] =	ssyncset.done $0x0  }
0x218: {  	[sflag:s11] =	ssyncadd.s32 $0xFFFF8000  }
0x219: {  	_ =	sfence.sel $0x180000  }
0x21a: {  	[bflag:$0x0] =	sbarrier.arrive $0xFFFF  }
0x21b: {  	_ =	strace $0x90000047  }
0x21c: {  	s0 =	stileid.u32;
	[bflag:$0x2] =	sbarrier.arrive $0xFFFF  }
0x21d: {  	p0 =	sne.s32 s0, $0x0;
	s0 =	rddreg [dreg:$0x3]  }
0x21e: {  	s0 =	sadd.s32 @!p0 $0x100000, s0  }
0x21f: {  	[sflag:s0] =	ssyncadd.tile.s32 @!p0 $0x1;
	_ =	shalt  }
.Lfunc_end2:
_tile_overlayer_lowered:
.L_overlay_start_2:
0x220: {  	(tag) =	ssettag $0x2  }
0x221: {  	s0 =	rddreg [dreg:$0x0];
	s2 =	stileid.u32  }
0x222: {  	s1 =	rddreg [dreg:$0x1];
	p0 =	sne.s32 s2, $0x0  }
0x223: {  	s3 =	rddreg [dreg:$0x2];
	[bflag:$0x3] =	sbarrier.arrive $0xFFFF;
	s2 =	simm.s32 @!p0 $0x1C02  }
0x224: {  	[timem:s3], [sflag:s2] =	dma.local @!p0 [hbm:s0], s1  }
0x225: {  	s0 =	simm.s32 @!p0 $0x2  }
0x226: {  	_ =	swait.ge @!p0 [sflag:s0], s1  }
0x227: {  	s1 =	ssub.s32 @!p0 $0x0, s1;
	[sflag:s0] =	ssyncset.done @!p0 $0x0  }
0x228: {  	[sflag:s0] =	ssyncadd.s32 @!p0 s1  }
0x229: {  	[bflag:$0x3] =	sbarrier.arrive $0xFFFF  }
0x22a: {  	_ =	shalt  }

</sc_bundles>
